<compile_context>
chip_gen: v7x
topology: tpu7x:2x2x1
jax: 0.10.2.dev20260603
libtpu: 0.0.44.dev20260713+nightly
codegen_flags: <defaults>
</compile_context>

<pallas_src>
import functools

import jax
import jax.numpy as jnp
from jax import lax
from jax.experimental import pallas as pl
from jax.experimental.pallas import tpu as pltpu
from jax.experimental.pallas import tpu_sc as plsc

_IW = 128
_JROWS = 4
_CHUNK = _IW * _JROWS




def _make_table_prep(v: int, d: int):
    bc = 16384
    grid = (v + bc - 1) // bc

    def body(in_ref, out_ref):
        out_ref[:, :d] = in_ref[...].T

    return pl.pallas_call(
        body,
        grid=(grid,),
        in_specs=[pl.BlockSpec((d, bc), lambda j: (0, j))],
        out_specs=pl.BlockSpec((bc, 2 * d), lambda j: (j, 0)),
        out_shape=jax.ShapeDtypeStruct((v, 2 * d), jnp.float32),
    )


def _make_gather(n_rows: int, n_vocab: int, d: int):
    info = plsc.get_sparse_core_info()
    nw = info.num_cores * info.num_subcores
    nc = info.num_cores
    rows_per_w = n_rows // nw
    idx_rows_per_w = rows_per_w // _IW
    chunks = idx_rows_per_w // _JROWS
    assert rows_per_w * nw == n_rows and chunks * _JROWS == idx_rows_per_w
    assert chunks % 2 == 0 and chunks >= 4

    mesh = plsc.VectorSubcoreMesh(core_axis_name="c", subcore_axis_name="s")

    @functools.partial(
        pl.kernel,
        mesh=mesh,
        compiler_params=pltpu.CompilerParams(use_tc_tiling_on_sc=False),
        out_type=jax.ShapeDtypeStruct((n_rows, d), jnp.float32),
        scratch_types=[
            pltpu.VMEM((idx_rows_per_w, _IW), jnp.int32),
            pltpu.VMEM((_CHUNK, d), jnp.float32),
            pltpu.VMEM((_CHUNK, d), jnp.float32),
            pltpu.SemaphoreType.DMA,
            pltpu.SemaphoreType.DMA,
        ],
    )
    def k(table_hbm, idx_hbm, out_hbm, idx_v, rows0, rows1, sem0, sem1):
        wid = lax.axis_index("s") * nc + lax.axis_index("c")
        idx_row0 = wid * idx_rows_per_w
        out_row0 = wid * rows_per_w

        pltpu.sync_copy(idx_hbm.at[pl.ds(idx_row0, idx_rows_per_w)], idx_v)

        def fire(c, rows_v, sem):
            for j in range(_JROWS):
                pltpu.async_copy(table_hbm.at[idx_v.at[c * _JROWS + j]],
                                 rows_v.at[pl.ds(j * _IW, _IW)], sem)

        def drain_and_write(c, rows_v, sem):
            for j in range(_JROWS):
                pltpu.make_async_copy(
                    table_hbm.at[idx_v.at[j]],
                    rows_v.at[pl.ds(j * _IW, _IW)], sem).wait()
            pltpu.sync_copy(rows_v,
                            out_hbm.at[pl.ds(out_row0 + c * _CHUNK, _CHUNK)])

        fire(0, rows0, sem0)

        def body(i, carry):
            c = 2 * i
            fire(c + 1, rows1, sem1)
            drain_and_write(c, rows0, sem0)
            fire(c + 2, rows0, sem0)
            drain_and_write(c + 1, rows1, sem1)
            return carry

        lax.fori_loop(0, chunks // 2 - 1, body, 0)

        c = chunks - 2
        fire(c + 1, rows1, sem1)
        drain_and_write(c, rows0, sem0)
        drain_and_write(c + 1, rows1, sem1)

    return k


def kernel(x, weight):
    b, s = x.shape
    n = b * s
    v, d = weight.shape
    w2 = _make_table_prep(v, d)(weight.T).reshape(2 * v, d)
    idx2d = (x.reshape(n // _IW, _IW) * 2).astype(jnp.int32)
    out_lin = _make_gather(n, 2 * v, d)(w2, idx2d)
    out_t = out_lin.reshape(b, s * d).T
    return out_t.reshape(s, d, b).transpose(2, 0, 1)

# --- scband reference (transcript-rebuilt; emitter-appended) ---
"""Pipeline reference for scband-word-embedding-layer-79611513798714 (READ-ONLY COPY).

The authoritative reference and input builder live on the scoring server;
editing this copy changes nothing except your own understanding.
"""

import jax, jax.numpy as jnp
import numpy as np

NUM_EMBEDDINGS = 1000000
EMBEDDING_DIM = 64
BATCH = 16384
SEQ = 50

def setup_inputs(seed: int = 0) -> dict:
    key = jax.random.key(seed)
    k_idx, k_w = jax.random.split(key)
    x = jax.random.randint(k_idx, (BATCH, SEQ), 0, NUM_EMBEDDINGS, dtype=jnp.int64 if jax.config.jax_enable_x64 else jnp.int32)
    weight = jax.random.normal(k_w, (NUM_EMBEDDINGS, EMBEDDING_DIM), dtype=jnp.float32)
    return {"x": x, "weight": weight}

def reference(x, weight):
    # WordEmbeddingLayer.forward with cached=False: nn.Embedding lookup
    return jnp.take(weight, x, axis=0)

if __name__ == "__main__":
    import jax
    _d = setup_inputs()
    print(jax.jit(kernel)(*tuple(_d.values())))

</pallas_src>

<mosaic_0001>
#map = affine_map<(d0, d1) -> (0, 0)>
module attributes {stable_mosaic.version = 14 : i64} {
  func.func @k(%arg0: i32, %arg1: i32, %arg2: memref<2000000x64xf32, #tpu.memory_space<hbm>>, %arg3: memref<6400x128xi32, #tpu.memory_space<hbm>>, %arg4: memref<819200x64xf32, #tpu.memory_space<hbm>>, %arg5: memref<200x128xi32, #tpu.memory_space<vmem>>, %arg6: memref<512x64xf32, #tpu.memory_space<vmem>>, %arg7: memref<512x64xf32, #tpu.memory_space<vmem>>, %arg8: memref<!tpu.dma_semaphore, #tpu.memory_space<semaphore_mem>>, %arg9: memref<!tpu.dma_semaphore, #tpu.memory_space<semaphore_mem>>) attributes {dimension_semantics = [#tpu.dimension_semantics<core_parallel>, #tpu.dimension_semantics<subcore_parallel>], iteration_bounds = array<i64: 2, 16>, scalar_prefetch = 0 : i64, scratch_operands = 5 : i64, tpu.core_type = #tpu.core_type<sc_vector_subcore>, window_params = [{transform_indices = #map}, {transform_indices = #map}, {transform_indices = #map}]} {
    %mul3A = arith.constant 2 : i32
    %mul3A_0 = arith.muli %arg1, %mul3A : i32
    %add3A = arith.addi %mul3A_0, %arg0 : i32
    %mul3A_1 = arith.constant 200 : i32
    %mul3A_2 = arith.muli %add3A, %mul3A_1 : i32
    %mul3A_3 = arith.constant 25600 : i32
    %mul3A_4 = arith.muli %add3A, %mul3A_3 : i32
    "tpu.region"() ({
      %run_scoped3A = tpu.sem_alloc : memref<!tpu.dma_semaphore, #tpu.memory_space<semaphore_mem>>
      %dma_start3A_172 = arith.constant 0 : i32
      %dma_start3A_173 = tpu.memref_slice %arg3[%mul3A_2, %dma_start3A_172] : memref<6400x128xi32, #tpu.memory_space<hbm>> -> memref<200x128xi32, #tpu.memory_space<hbm>>
      %dma_start3A_174 = arith.constant 0 : i32
      %dma_start3A_175 = tpu.memref_slice %arg3[%mul3A_2, %dma_start3A_174] : memref<6400x128xi32, #tpu.memory_space<hbm>> -> memref<200x128xi32, #tpu.memory_space<hbm>>
      tpu.enqueue_dma source(%dma_start3A_175 : memref<200x128xi32, #tpu.memory_space<hbm>>) target(%arg5 : memref<200x128xi32, #tpu.memory_space<vmem>>) target_semaphore(%run_scoped3A : memref<!tpu.dma_semaphore, #tpu.memory_space<semaphore_mem>>)
      %dma_wait3A_176 = arith.constant 0 : i32
      %dma_wait3A_177 = tpu.memref_slice %arg3[%mul3A_2, %dma_wait3A_176] : memref<6400x128xi32, #tpu.memory_space<hbm>> -> memref<200x128xi32, #tpu.memory_space<hbm>>
      %dma_wait3A_178 = arith.constant 0 : i32
      %dma_wait3A_179 = tpu.memref_slice %arg3[%mul3A_2, %dma_wait3A_178] : memref<6400x128xi32, #tpu.memory_space<hbm>> -> memref<200x128xi32, #tpu.memory_space<hbm>>
      tpu.wait_dma2 semaphore(%run_scoped3A : memref<!tpu.dma_semaphore, #tpu.memory_space<semaphore_mem>>) src(%dma_wait3A_179 : memref<200x128xi32, #tpu.memory_space<hbm>>) dst(%arg5 : memref<200x128xi32, #tpu.memory_space<vmem>>)
      tpu.yield
    }) : () -> ()
    %dma_start3A = arith.constant 0 : i32
    %dma_start3A_5 = arith.constant 0 : i32
    %dma_start3A_6 = arith.constant 0 : i32
    %dma_start3A_7 = tpu.memref_slice %arg6[%dma_start3A_5, %dma_start3A_6] : memref<512x64xf32, #tpu.memory_space<vmem>> -> memref<128x64xf32, #tpu.memory_space<vmem>>
    %dma_start3A_8 = arith.constant 0 : i32
    %dma_start3A_9 = tpu.memref_slice %arg5[%dma_start3A, %dma_start3A_8] : memref<200x128xi32, #tpu.memory_space<vmem>> -> memref<1x128xi32, #tpu.memory_space<vmem>>
    %dma_start3A_10 = tpu.memref_squeeze %dma_start3A_9 : memref<1x128xi32, #tpu.memory_space<vmem>> -> memref<128xi32, #tpu.memory_space<vmem>>
    %dma_start3A_11 = arith.constant 0 : i32
    %dma_start3A_12 = arith.constant 0 : i32
    %dma_start3A_13 = tpu.memref_slice %arg2[%dma_start3A_11, %dma_start3A_12] : memref<2000000x64xf32, #tpu.memory_space<hbm>> -> memref<2000000x64xf32, #tpu.memory_space<hbm>>
    tpu.enqueue_indirect_dma source(%dma_start3A_13 : memref<2000000x64xf32, #tpu.memory_space<hbm>>) target(%dma_start3A_7 : memref<128x64xf32, #tpu.memory_space<vmem>>) offsets(%dma_start3A_10 : memref<128xi32, #tpu.memory_space<vmem>>) semaphore(%arg8 : memref<!tpu.dma_semaphore, #tpu.memory_space<semaphore_mem>>)
    %dma_start3A_14 = arith.constant 1 : i32
    %dma_start3A_15 = arith.constant 128 : i32
    %dma_start3A_16 = arith.constant 0 : i32
    %dma_start3A_17 = tpu.memref_slice %arg6[%dma_start3A_15, %dma_start3A_16] : memref<512x64xf32, #tpu.memory_space<vmem>> -> memref<128x64xf32, #tpu.memory_space<vmem>>
    %dma_start3A_18 = arith.constant 0 : i32
    %dma_start3A_19 = tpu.memref_slice %arg5[%dma_start3A_14, %dma_start3A_18] : memref<200x128xi32, #tpu.memory_space<vmem>> -> memref<1x128xi32, #tpu.memory_space<vmem>>
    %dma_start3A_20 = tpu.memref_squeeze %dma_start3A_19 : memref<1x128xi32, #tpu.memory_space<vmem>> -> memref<128xi32, #tpu.memory_space<vmem>>
    %dma_start3A_21 = arith.constant 0 : i32
    %dma_start3A_22 = arith.constant 0 : i32
    %dma_start3A_23 = tpu.memref_slice %arg2[%dma_start3A_21, %dma_start3A_22] : memref<2000000x64xf32, #tpu.memory_space<hbm>> -> memref<2000000x64xf32, #tpu.memory_space<hbm>>
    tpu.enqueue_indirect_dma source(%dma_start3A_23 : memref<2000000x64xf32, #tpu.memory_space<hbm>>) target(%dma_start3A_17 : memref<128x64xf32, #tpu.memory_space<vmem>>) offsets(%dma_start3A_20 : memref<128xi32, #tpu.memory_space<vmem>>) semaphore(%arg8 : memref<!tpu.dma_semaphore, #tpu.memory_space<semaphore_mem>>)
    %dma_start3A_24 = arith.constant 2 : i32
    %dma_start3A_25 = arith.constant 256 : i32
    %dma_start3A_26 = arith.constant 0 : i32
    %dma_start3A_27 = tpu.memref_slice %arg6[%dma_start3A_25, %dma_start3A_26] : memref<512x64xf32, #tpu.memory_space<vmem>> -> memref<128x64xf32, #tpu.memory_space<vmem>>
    %dma_start3A_28 = arith.constant 0 : i32
    %dma_start3A_29 = tpu.memref_slice %arg5[%dma_start3A_24, %dma_start3A_28] : memref<200x128xi32, #tpu.memory_space<vmem>> -> memref<1x128xi32, #tpu.memory_space<vmem>>
    %dma_start3A_30 = tpu.memref_squeeze %dma_start3A_29 : memref<1x128xi32, #tpu.memory_space<vmem>> -> memref<128xi32, #tpu.memory_space<vmem>>
    %dma_start3A_31 = arith.constant 0 : i32
    %dma_start3A_32 = arith.constant 0 : i32
    %dma_start3A_33 = tpu.memref_slice %arg2[%dma_start3A_31, %dma_start3A_32] : memref<2000000x64xf32, #tpu.memory_space<hbm>> -> memref<2000000x64xf32, #tpu.memory_space<hbm>>
    tpu.enqueue_indirect_dma source(%dma_start3A_33 : memref<2000000x64xf32, #tpu.memory_space<hbm>>) target(%dma_start3A_27 : memref<128x64xf32, #tpu.memory_space<vmem>>) offsets(%dma_start3A_30 : memref<128xi32, #tpu.memory_space<vmem>>) semaphore(%arg8 : memref<!tpu.dma_semaphore, #tpu.memory_space<semaphore_mem>>)
    %dma_start3A_34 = arith.constant 3 : i32
    %dma_start3A_35 = arith.constant 384 : i32
    %dma_start3A_36 = arith.constant 0 : i32
    %dma_start3A_37 = tpu.memref_slice %arg6[%dma_start3A_35, %dma_start3A_36] : memref<512x64xf32, #tpu.memory_space<vmem>> -> memref<128x64xf32, #tpu.memory_space<vmem>>
    %dma_start3A_38 = arith.constant 0 : i32
    %dma_start3A_39 = tpu.memref_slice %arg5[%dma_start3A_34, %dma_start3A_38] : memref<200x128xi32, #tpu.memory_space<vmem>> -> memref<1x128xi32, #tpu.memory_space<vmem>>
    %dma_start3A_40 = tpu.memref_squeeze %dma_start3A_39 : memref<1x128xi32, #tpu.memory_space<vmem>> -> memref<128xi32, #tpu.memory_space<vmem>>
    %dma_start3A_41 = arith.constant 0 : i32
    %dma_start3A_42 = arith.constant 0 : i32
    %dma_start3A_43 = tpu.memref_slice %arg2[%dma_start3A_41, %dma_start3A_42] : memref<2000000x64xf32, #tpu.memory_space<hbm>> -> memref<2000000x64xf32, #tpu.memory_space<hbm>>
    tpu.enqueue_indirect_dma source(%dma_start3A_43 : memref<2000000x64xf32, #tpu.memory_space<hbm>>) target(%dma_start3A_37 : memref<128x64xf32, #tpu.memory_space<vmem>>) offsets(%dma_start3A_40 : memref<128xi32, #tpu.memory_space<vmem>>) semaphore(%arg8 : memref<!tpu.dma_semaphore, #tpu.memory_space<semaphore_mem>>)
    %scan3A = arith.constant 0 : i32
    %scan3A_44 = arith.constant 0 : i32
    %scan3A_45 = arith.constant 24 : i32
    %scan3A_46 = arith.addi %scan3A_44, %scan3A_45 : i32
    %scan3A_47 = arith.constant 1 : i32
    scf.for %scan3A_172 = %scan3A_44 to %scan3A_46 step %scan3A_47  : i32 {
      %mul3A_173 = arith.constant 2 : i32
      %mul3A_174 = arith.muli %mul3A_173, %scan3A_172 : i32
      %add3A_175 = arith.constant 1 : i32
      %add3A_176 = arith.addi %mul3A_174, %add3A_175 : i32
      %mul3A_177 = arith.constant 4 : i32
      %mul3A_178 = arith.muli %add3A_176, %mul3A_177 : i32
      %add3A_179 = arith.constant 0 : i32
      %add3A_180 = arith.addi %mul3A_178, %add3A_179 : i32
      %dma_start3A_181 = arith.constant 0 : i32
      %dma_start3A_182 = arith.constant 0 : i32
      %dma_start3A_183 = tpu.memref_slice %arg7[%dma_start3A_181, %dma_start3A_182] : memref<512x64xf32, #tpu.memory_space<vmem>> -> memref<128x64xf32, #tpu.memory_space<vmem>>
      %dma_start3A_184 = arith.constant 0 : i32
      %dma_start3A_185 = tpu.memref_slice %arg5[%add3A_180, %dma_start3A_184] : memref<200x128xi32, #tpu.memory_space<vmem>> -> memref<1x128xi32, #tpu.memory_space<vmem>>
      %dma_start3A_186 = tpu.memref_squeeze %dma_start3A_185 : memref<1x128xi32, #tpu.memory_space<vmem>> -> memref<128xi32, #tpu.memory_space<vmem>>
      %dma_start3A_187 = arith.constant 0 : i32
      %dma_start3A_188 = arith.constant 0 : i32
      %dma_start3A_189 = tpu.memref_slice %arg2[%dma_start3A_187, %dma_start3A_188] : memref<2000000x64xf32, #tpu.memory_space<hbm>> -> memref<2000000x64xf32, #tpu.memory_space<hbm>>
      tpu.enqueue_indirect_dma source(%dma_start3A_189 : memref<2000000x64xf32, #tpu.memory_space<hbm>>) target(%dma_start3A_183 : memref<128x64xf32, #tpu.memory_space<vmem>>) offsets(%dma_start3A_186 : memref<128xi32, #tpu.memory_space<vmem>>) semaphore(%arg9 : memref<!tpu.dma_semaphore, #tpu.memory_space<semaphore_mem>>)
      %mul3A_190 = arith.constant 4 : i32
      %mul3A_191 = arith.muli %add3A_176, %mul3A_190 : i32
      %add3A_192 = arith.constant 1 : i32
      %add3A_193 = arith.addi %mul3A_191, %add3A_192 : i32
      %dma_start3A_194 = arith.constant 128 : i32
      %dma_start3A_195 = arith.constant 0 : i32
      %dma_start3A_196 = tpu.memref_slice %arg7[%dma_start3A_194, %dma_start3A_195] : memref<512x64xf32, #tpu.memory_space<vmem>> -> memref<128x64xf32, #tpu.memory_space<vmem>>
      %dma_start3A_197 = arith.constant 0 : i32
      %dma_start3A_198 = tpu.memref_slice %arg5[%add3A_193, %dma_start3A_197] : memref<200x128xi32, #tpu.memory_space<vmem>> -> memref<1x128xi32, #tpu.memory_space<vmem>>
      %dma_start3A_199 = tpu.memref_squeeze %dma_start3A_198 : memref<1x128xi32, #tpu.memory_space<vmem>> -> memref<128xi32, #tpu.memory_space<vmem>>
      %dma_start3A_200 = arith.constant 0 : i32
      %dma_start3A_201 = arith.constant 0 : i32
      %dma_start3A_202 = tpu.memref_slice %arg2[%dma_start3A_200, %dma_start3A_201] : memref<2000000x64xf32, #tpu.memory_space<hbm>> -> memref<2000000x64xf32, #tpu.memory_space<hbm>>
      tpu.enqueue_indirect_dma source(%dma_start3A_202 : memref<2000000x64xf32, #tpu.memory_space<hbm>>) target(%dma_start3A_196 : memref<128x64xf32, #tpu.memory_space<vmem>>) offsets(%dma_start3A_199 : memref<128xi32, #tpu.memory_space<vmem>>) semaphore(%arg9 : memref<!tpu.dma_semaphore, #tpu.memory_space<semaphore_mem>>)
      %mul3A_203 = arith.constant 4 : i32
      %mul3A_204 = arith.muli %add3A_176, %mul3A_203 : i32
      %add3A_205 = arith.constant 2 : i32
      %add3A_206 = arith.addi %mul3A_204, %add3A_205 : i32
      %dma_start3A_207 = arith.constant 256 : i32
      %dma_start3A_208 = arith.constant 0 : i32
      %dma_start3A_209 = tpu.memref_slice %arg7[%dma_start3A_207, %dma_start3A_208] : memref<512x64xf32, #tpu.memory_space<vmem>> -> memref<128x64xf32, #tpu.memory_space<vmem>>
      %dma_start3A_210 = arith.constant 0 : i32
      %dma_start3A_211 = tpu.memref_slice %arg5[%add3A_206, %dma_start3A_210] : memref<200x128xi32, #tpu.memory_space<vmem>> -> memref<1x128xi32, #tpu.memory_space<vmem>>
      %dma_start3A_212 = tpu.memref_squeeze %dma_start3A_211 : memref<1x128xi32, #tpu.memory_space<vmem>> -> memref<128xi32, #tpu.memory_space<vmem>>
      %dma_start3A_213 = arith.constant 0 : i32
      %dma_start3A_214 = arith.constant 0 : i32
      %dma_start3A_215 = tpu.memref_slice %arg2[%dma_start3A_213, %dma_start3A_214] : memref<2000000x64xf32, #tpu.memory_space<hbm>> -> memref<2000000x64xf32, #tpu.memory_space<hbm>>
      tpu.enqueue_indirect_dma source(%dma_start3A_215 : memref<2000000x64xf32, #tpu.memory_space<hbm>>) target(%dma_start3A_209 : memref<128x64xf32, #tpu.memory_space<vmem>>) offsets(%dma_start3A_212 : memref<128xi32, #tpu.memory_space<vmem>>) semaphore(%arg9 : memref<!tpu.dma_semaphore, #tpu.memory_space<semaphore_mem>>)
      %mul3A_216 = arith.constant 4 : i32
      %mul3A_217 = arith.muli %add3A_176, %mul3A_216 : i32
      %add3A_218 = arith.constant 3 : i32
      %add3A_219 = arith.addi %mul3A_217, %add3A_218 : i32
      %dma_start3A_220 = arith.constant 384 : i32
      %dma_start3A_221 = arith.constant 0 : i32
      %dma_start3A_222 = tpu.memref_slice %arg7[%dma_start3A_220, %dma_start3A_221] : memref<512x64xf32, #tpu.memory_space<vmem>> -> memref<128x64xf32, #tpu.memory_space<vmem>>
      %dma_start3A_223 = arith.constant 0 : i32
      %dma_start3A_224 = tpu.memref_slice %arg5[%add3A_219, %dma_start3A_223] : memref<200x128xi32, #tpu.memory_space<vmem>> -> memref<1x128xi32, #tpu.memory_space<vmem>>
      %dma_start3A_225 = tpu.memref_squeeze %dma_start3A_224 : memref<1x128xi32, #tpu.memory_space<vmem>> -> memref<128xi32, #tpu.memory_space<vmem>>
      %dma_start3A_226 = arith.constant 0 : i32
      %dma_start3A_227 = arith.constant 0 : i32
      %dma_start3A_228 = tpu.memref_slice %arg2[%dma_start3A_226, %dma_start3A_227] : memref<2000000x64xf32, #tpu.memory_space<hbm>> -> memref<2000000x64xf32, #tpu.memory_space<hbm>>
      tpu.enqueue_indirect_dma source(%dma_start3A_228 : memref<2000000x64xf32, #tpu.memory_space<hbm>>) target(%dma_start3A_222 : memref<128x64xf32, #tpu.memory_space<vmem>>) offsets(%dma_start3A_225 : memref<128xi32, #tpu.memory_space<vmem>>) semaphore(%arg9 : memref<!tpu.dma_semaphore, #tpu.memory_space<semaphore_mem>>)
      %dma_wait3A_229 = arith.constant 0 : i32
      %dma_wait3A_230 = arith.constant 0 : i32
      %dma_wait3A_231 = arith.constant 0 : i32
      %dma_wait3A_232 = tpu.memref_slice %arg6[%dma_wait3A_230, %dma_wait3A_231] : memref<512x64xf32, #tpu.memory_space<vmem>> -> memref<128x64xf32, #tpu.memory_space<vmem>>
      %dma_wait3A_233 = arith.constant 0 : i32
      %dma_wait3A_234 = tpu.memref_slice %arg5[%dma_wait3A_229, %dma_wait3A_233] : memref<200x128xi32, #tpu.memory_space<vmem>> -> memref<1x128xi32, #tpu.memory_space<vmem>>
      %dma_wait3A_235 = tpu.memref_squeeze %dma_wait3A_234 : memref<1x128xi32, #tpu.memory_space<vmem>> -> memref<128xi32, #tpu.memory_space<vmem>>
      %dma_wait3A_236 = arith.constant 0 : i32
      %dma_wait3A_237 = arith.constant 0 : i32
      %dma_wait3A_238 = tpu.memref_slice %arg2[%dma_wait3A_236, %dma_wait3A_237] : memref<2000000x64xf32, #tpu.memory_space<hbm>> -> memref<2000000x64xf32, #tpu.memory_space<hbm>>
      tpu.wait_indirect_dma semaphore(%arg8 : memref<!tpu.dma_semaphore, #tpu.memory_space<semaphore_mem>>) src(%dma_wait3A_238 : memref<2000000x64xf32, #tpu.memory_space<hbm>>) dst(%dma_wait3A_232 : memref<128x64xf32, #tpu.memory_space<vmem>>)
      %dma_wait3A_239 = arith.constant 1 : i32
      %dma_wait3A_240 = arith.constant 128 : i32
      %dma_wait3A_241 = arith.constant 0 : i32
      %dma_wait3A_242 = tpu.memref_slice %arg6[%dma_wait3A_240, %dma_wait3A_241] : memref<512x64xf32, #tpu.memory_space<vmem>> -> memref<128x64xf32, #tpu.memory_space<vmem>>
      %dma_wait3A_243 = arith.constant 0 : i32
      %dma_wait3A_244 = tpu.memref_slice %arg5[%dma_wait3A_239, %dma_wait3A_243] : memref<200x128xi32, #tpu.memory_space<vmem>> -> memref<1x128xi32, #tpu.memory_space<vmem>>
      %dma_wait3A_245 = tpu.memref_squeeze %dma_wait3A_244 : memref<1x128xi32, #tpu.memory_space<vmem>> -> memref<128xi32, #tpu.memory_space<vmem>>
      %dma_wait3A_246 = arith.constant 0 : i32
      %dma_wait3A_247 = arith.constant 0 : i32
      %dma_wait3A_248 = tpu.memref_slice %arg2[%dma_wait3A_246, %dma_wait3A_247] : memref<2000000x64xf32, #tpu.memory_space<hbm>> -> memref<2000000x64xf32, #tpu.memory_space<hbm>>
      tpu.wait_indirect_dma semaphore(%arg8 : memref<!tpu.dma_semaphore, #tpu.memory_space<semaphore_mem>>) src(%dma_wait3A_248 : memref<2000000x64xf32, #tpu.memory_space<hbm>>) dst(%dma_wait3A_242 : memref<128x64xf32, #tpu.memory_space<vmem>>)
      %dma_wait3A_249 = arith.constant 2 : i32
      %dma_wait3A_250 = arith.constant 256 : i32
      %dma_wait3A_251 = arith.constant 0 : i32
      %dma_wait3A_252 = tpu.memref_slice %arg6[%dma_wait3A_250, %dma_wait3A_251] : memref<512x64xf32, #tpu.memory_space<vmem>> -> memref<128x64xf32, #tpu.memory_space<vmem>>
      %dma_wait3A_253 = arith.constant 0 : i32
      %dma_wait3A_254 = tpu.memref_slice %arg5[%dma_wait3A_249, %dma_wait3A_253] : memref<200x128xi32, #tpu.memory_space<vmem>> -> memref<1x128xi32, #tpu.memory_space<vmem>>
      %dma_wait3A_255 = tpu.memref_squeeze %dma_wait3A_254 : memref<1x128xi32, #tpu.memory_space<vmem>> -> memref<128xi32, #tpu.memory_space<vmem>>
      %dma_wait3A_256 = arith.constant 0 : i32
      %dma_wait3A_257 = arith.constant 0 : i32
      %dma_wait3A_258 = tpu.memref_slice %arg2[%dma_wait3A_256, %dma_wait3A_257] : memref<2000000x64xf32, #tpu.memory_space<hbm>> -> memref<2000000x64xf32, #tpu.memory_space<hbm>>
      tpu.wait_indirect_dma semaphore(%arg8 : memref<!tpu.dma_semaphore, #tpu.memory_space<semaphore_mem>>) src(%dma_wait3A_258 : memref<2000000x64xf32, #tpu.memory_space<hbm>>) dst(%dma_wait3A_252 : memref<128x64xf32, #tpu.memory_space<vmem>>)
      %dma_wait3A_259 = arith.constant 3 : i32
      %dma_wait3A_260 = arith.constant 384 : i32
      %dma_wait3A_261 = arith.constant 0 : i32
      %dma_wait3A_262 = tpu.memref_slice %arg6[%dma_wait3A_260, %dma_wait3A_261] : memref<512x64xf32, #tpu.memory_space<vmem>> -> memref<128x64xf32, #tpu.memory_space<vmem>>
      %dma_wait3A_263 = arith.constant 0 : i32
      %dma_wait3A_264 = tpu.memref_slice %arg5[%dma_wait3A_259, %dma_wait3A_263] : memref<200x128xi32, #tpu.memory_space<vmem>> -> memref<1x128xi32, #tpu.memory_space<vmem>>
      %dma_wait3A_265 = tpu.memref_squeeze %dma_wait3A_264 : memref<1x128xi32, #tpu.memory_space<vmem>> -> memref<128xi32, #tpu.memory_space<vmem>>
      %dma_wait3A_266 = arith.constant 0 : i32
      %dma_wait3A_267 = arith.constant 0 : i32
      %dma_wait3A_268 = tpu.memref_slice %arg2[%dma_wait3A_266, %dma_wait3A_267] : memref<2000000x64xf32, #tpu.memory_space<hbm>> -> memref<2000000x64xf32, #tpu.memory_space<hbm>>
      tpu.wait_indirect_dma semaphore(%arg8 : memref<!tpu.dma_semaphore, #tpu.memory_space<semaphore_mem>>) src(%dma_wait3A_268 : memref<2000000x64xf32, #tpu.memory_space<hbm>>) dst(%dma_wait3A_262 : memref<128x64xf32, #tpu.memory_space<vmem>>)
      %mul3A_269 = arith.constant 512 : i32
      %mul3A_270 = arith.muli %mul3A_174, %mul3A_269 : i32
      %add3A_271 = arith.addi %mul3A_4, %mul3A_270 : i32
      "tpu.region"() ({
        %run_scoped3A = tpu.sem_alloc : memref<!tpu.dma_semaphore, #tpu.memory_space<semaphore_mem>>
        %dma_start3A_371 = arith.constant 0 : i32
        %dma_start3A_372 = tpu.memref_slice %arg4[%add3A_271, %dma_start3A_371] : memref<819200x64xf32, #tpu.memory_space<hbm>> -> memref<512x64xf32, #tpu.memory_space<hbm>>
        %dma_start3A_373 = arith.constant 0 : i32
        %dma_start3A_374 = tpu.memref_slice %arg4[%add3A_271, %dma_start3A_373] : memref<819200x64xf32, #tpu.memory_space<hbm>> -> memref<512x64xf32, #tpu.memory_space<hbm>>
        tpu.enqueue_dma source(%arg6 : memref<512x64xf32, #tpu.memory_space<vmem>>) target(%dma_start3A_374 : memref<512x64xf32, #tpu.memory_space<hbm>>) target_semaphore(%run_scoped3A : memref<!tpu.dma_semaphore, #tpu.memory_space<semaphore_mem>>)
        %dma_wait3A_375 = arith.constant 0 : i32
        %dma_wait3A_376 = tpu.memref_slice %arg4[%add3A_271, %dma_wait3A_375] : memref<819200x64xf32, #tpu.memory_space<hbm>> -> memref<512x64xf32, #tpu.memory_space<hbm>>
        %dma_wait3A_377 = arith.constant 0 : i32
        %dma_wait3A_378 = tpu.memref_slice %arg4[%add3A_271, %dma_wait3A_377] : memref<819200x64xf32, #tpu.memory_space<hbm>> -> memref<512x64xf32, #tpu.memory_space<hbm>>
        tpu.wait_dma2 semaphore(%run_scoped3A : memref<!tpu.dma_semaphore, #tpu.memory_space<semaphore_mem>>) src(%arg6 : memref<512x64xf32, #tpu.memory_space<vmem>>) dst(%dma_wait3A_378 : memref<512x64xf32, #tpu.memory_space<hbm>>)
        tpu.yield
      }) : () -> ()
      %add3A_272 = arith.constant 2 : i32
      %add3A_273 = arith.addi %mul3A_174, %add3A_272 : i32
      %mul3A_274 = arith.constant 4 : i32
      %mul3A_275 = arith.muli %add3A_273, %mul3A_274 : i32
      %add3A_276 = arith.constant 0 : i32
      %add3A_277 = arith.addi %mul3A_275, %add3A_276 : i32
      %dma_start3A_278 = arith.constant 0 : i32
      %dma_start3A_279 = arith.constant 0 : i32
      %dma_start3A_280 = tpu.memref_slice %arg6[%dma_start3A_278, %dma_start3A_279] : memref<512x64xf32, #tpu.memory_space<vmem>> -> memref<128x64xf32, #tpu.memory_space<vmem>>
      %dma_start3A_281 = arith.constant 0 : i32
      %dma_start3A_282 = tpu.memref_slice %arg5[%add3A_277, %dma_start3A_281] : memref<200x128xi32, #tpu.memory_space<vmem>> -> memref<1x128xi32, #tpu.memory_space<vmem>>
      %dma_start3A_283 = tpu.memref_squeeze %dma_start3A_282 : memref<1x128xi32, #tpu.memory_space<vmem>> -> memref<128xi32, #tpu.memory_space<vmem>>
      %dma_start3A_284 = arith.constant 0 : i32
      %dma_start3A_285 = arith.constant 0 : i32
      %dma_start3A_286 = tpu.memref_slice %arg2[%dma_start3A_284, %dma_start3A_285] : memref<2000000x64xf32, #tpu.memory_space<hbm>> -> memref<2000000x64xf32, #tpu.memory_space<hbm>>
      tpu.enqueue_indirect_dma source(%dma_start3A_286 : memref<2000000x64xf32, #tpu.memory_space<hbm>>) target(%dma_start3A_280 : memref<128x64xf32, #tpu.memory_space<vmem>>) offsets(%dma_start3A_283 : memref<128xi32, #tpu.memory_space<vmem>>) semaphore(%arg8 : memref<!tpu.dma_semaphore, #tpu.memory_space<semaphore_mem>>)
      %mul3A_287 = arith.constant 4 : i32
      %mul3A_288 = arith.muli %add3A_273, %mul3A_287 : i32
      %add3A_289 = arith.constant 1 : i32
      %add3A_290 = arith.addi %mul3A_288, %add3A_289 : i32
      %dma_start3A_291 = arith.constant 128 : i32
      %dma_start3A_292 = arith.constant 0 : i32
      %dma_start3A_293 = tpu.memref_slice %arg6[%dma_start3A_291, %dma_start3A_292] : memref<512x64xf32, #tpu.memory_space<vmem>> -> memref<128x64xf32, #tpu.memory_space<vmem>>
      %dma_start3A_294 = arith.constant 0 : i32
      %dma_start3A_295 = tpu.memref_slice %arg5[%add3A_290, %dma_start3A_294] : memref<200x128xi32, #tpu.memory_space<vmem>> -> memref<1x128xi32, #tpu.memory_space<vmem>>
      %dma_start3A_296 = tpu.memref_squeeze %dma_start3A_295 : memref<1x128xi32, #tpu.memory_space<vmem>> -> memref<128xi32, #tpu.memory_space<vmem>>
      %dma_start3A_297 = arith.constant 0 : i32
      %dma_start3A_298 = arith.constant 0 : i32
      %dma_start3A_299 = tpu.memref_slice %arg2[%dma_start3A_297, %dma_start3A_298] : memref<2000000x64xf32, #tpu.memory_space<hbm>> -> memref<2000000x64xf32, #tpu.memory_space<hbm>>
      tpu.enqueue_indirect_dma source(%dma_start3A_299 : memref<2000000x64xf32, #tpu.memory_space<hbm>>) target(%dma_start3A_293 : memref<128x64xf32, #tpu.memory_space<vmem>>) offsets(%dma_start3A_296 : memref<128xi32, #tpu.memory_space<vmem>>) semaphore(%arg8 : memref<!tpu.dma_semaphore, #tpu.memory_space<semaphore_mem>>)
      %mul3A_300 = arith.constant 4 : i32
      %mul3A_301 = arith.muli %add3A_273, %mul3A_300 : i32
      %add3A_302 = arith.constant 2 : i32
      %add3A_303 = arith.addi %mul3A_301, %add3A_302 : i32
      %dma_start3A_304 = arith.constant 256 : i32
      %dma_start3A_305 = arith.constant 0 : i32
      %dma_start3A_306 = tpu.memref_slice %arg6[%dma_start3A_304, %dma_start3A_305] : memref<512x64xf32, #tpu.memory_space<vmem>> -> memref<128x64xf32, #tpu.memory_space<vmem>>
      %dma_start3A_307 = arith.constant 0 : i32
      %dma_start3A_308 = tpu.memref_slice %arg5[%add3A_303, %dma_start3A_307] : memref<200x128xi32, #tpu.memory_space<vmem>> -> memref<1x128xi32, #tpu.memory_space<vmem>>
      %dma_start3A_309 = tpu.memref_squeeze %dma_start3A_308 : memref<1x128xi32, #tpu.memory_space<vmem>> -> memref<128xi32, #tpu.memory_space<vmem>>
      %dma_start3A_310 = arith.constant 0 : i32
      %dma_start3A_311 = arith.constant 0 : i32
      %dma_start3A_312 = tpu.memref_slice %arg2[%dma_start3A_310, %dma_start3A_311] : memref<2000000x64xf32, #tpu.memory_space<hbm>> -> memref<2000000x64xf32, #tpu.memory_space<hbm>>
      tpu.enqueue_indirect_dma source(%dma_start3A_312 : memref<2000000x64xf32, #tpu.memory_space<hbm>>) target(%dma_start3A_306 : memref<128x64xf32, #tpu.memory_space<vmem>>) offsets(%dma_start3A_309 : memref<128xi32, #tpu.memory_space<vmem>>) semaphore(%arg8 : memref<!tpu.dma_semaphore, #tpu.memory_space<semaphore_mem>>)
      %mul3A_313 = arith.constant 4 : i32
      %mul3A_314 = arith.muli %add3A_273, %mul3A_313 : i32
      %add3A_315 = arith.constant 3 : i32
      %add3A_316 = arith.addi %mul3A_314, %add3A_315 : i32
      %dma_start3A_317 = arith.constant 384 : i32
      %dma_start3A_318 = arith.constant 0 : i32
      %dma_start3A_319 = tpu.memref_slice %arg6[%dma_start3A_317, %dma_start3A_318] : memref<512x64xf32, #tpu.memory_space<vmem>> -> memref<128x64xf32, #tpu.memory_space<vmem>>
      %dma_start3A_320 = arith.constant 0 : i32
      %dma_start3A_321 = tpu.memref_slice %arg5[%add3A_316, %dma_start3A_320] : memref<200x128xi32, #tpu.memory_space<vmem>> -> memref<1x128xi32, #tpu.memory_space<vmem>>
      %dma_start3A_322 = tpu.memref_squeeze %dma_start3A_321 : memref<1x128xi32, #tpu.memory_space<vmem>> -> memref<128xi32, #tpu.memory_space<vmem>>
      %dma_start3A_323 = arith.constant 0 : i32
      %dma_start3A_324 = arith.constant 0 : i32
      %dma_start3A_325 = tpu.memref_slice %arg2[%dma_start3A_323, %dma_start3A_324] : memref<2000000x64xf32, #tpu.memory_space<hbm>> -> memref<2000000x64xf32, #tpu.memory_space<hbm>>
      tpu.enqueue_indirect_dma source(%dma_start3A_325 : memref<2000000x64xf32, #tpu.memory_space<hbm>>) target(%dma_start3A_319 : memref<128x64xf32, #tpu.memory_space<vmem>>) offsets(%dma_start3A_322 : memref<128xi32, #tpu.memory_space<vmem>>) semaphore(%arg8 : memref<!tpu.dma_semaphore, #tpu.memory_space<semaphore_mem>>)
      %add3A_326 = arith.constant 1 : i32
      %add3A_327 = arith.addi %mul3A_174, %add3A_326 : i32
      %dma_wait3A_328 = arith.constant 0 : i32
      %dma_wait3A_329 = arith.constant 0 : i32
      %dma_wait3A_330 = arith.constant 0 : i32
      %dma_wait3A_331 = tpu.memref_slice %arg7[%dma_wait3A_329, %dma_wait3A_330] : memref<512x64xf32, #tpu.memory_space<vmem>> -> memref<128x64xf32, #tpu.memory_space<vmem>>
      %dma_wait3A_332 = arith.constant 0 : i32
      %dma_wait3A_333 = tpu.memref_slice %arg5[%dma_wait3A_328, %dma_wait3A_332] : memref<200x128xi32, #tpu.memory_space<vmem>> -> memref<1x128xi32, #tpu.memory_space<vmem>>
      %dma_wait3A_334 = tpu.memref_squeeze %dma_wait3A_333 : memref<1x128xi32, #tpu.memory_space<vmem>> -> memref<128xi32, #tpu.memory_space<vmem>>
      %dma_wait3A_335 = arith.constant 0 : i32
      %dma_wait3A_336 = arith.constant 0 : i32
      %dma_wait3A_337 = tpu.memref_slice %arg2[%dma_wait3A_335, %dma_wait3A_336] : memref<2000000x64xf32, #tpu.memory_space<hbm>> -> memref<2000000x64xf32, #tpu.memory_space<hbm>>
      tpu.wait_indirect_dma semaphore(%arg9 : memref<!tpu.dma_semaphore, #tpu.memory_space<semaphore_mem>>) src(%dma_wait3A_337 : memref<2000000x64xf32, #tpu.memory_space<hbm>>) dst(%dma_wait3A_331 : memref<128x64xf32, #tpu.memory_space<vmem>>)
      %dma_wait3A_338 = arith.constant 1 : i32
      %dma_wait3A_339 = arith.constant 128 : i32
      %dma_wait3A_340 = arith.constant 0 : i32
      %dma_wait3A_341 = tpu.memref_slice %arg7[%dma_wait3A_339, %dma_wait3A_340] : memref<512x64xf32, #tpu.memory_space<vmem>> -> memref<128x64xf32, #tpu.memory_space<vmem>>
      %dma_wait3A_342 = arith.constant 0 : i32
      %dma_wait3A_343 = tpu.memref_slice %arg5[%dma_wait3A_338, %dma_wait3A_342] : memref<200x128xi32, #tpu.memory_space<vmem>> -> memref<1x128xi32, #tpu.memory_space<vmem>>
      %dma_wait3A_344 = tpu.memref_squeeze %dma_wait3A_343 : memref<1x128xi32, #tpu.memory_space<vmem>> -> memref<128xi32, #tpu.memory_space<vmem>>
      %dma_wait3A_345 = arith.constant 0 : i32
      %dma_wait3A_346 = arith.constant 0 : i32
      %dma_wait3A_347 = tpu.memref_slice %arg2[%dma_wait3A_345, %dma_wait3A_346] : memref<2000000x64xf32, #tpu.memory_space<hbm>> -> memref<2000000x64xf32, #tpu.memory_space<hbm>>
      tpu.wait_indirect_dma semaphore(%arg9 : memref<!tpu.dma_semaphore, #tpu.memory_space<semaphore_mem>>) src(%dma_wait3A_347 : memref<2000000x64xf32, #tpu.memory_space<hbm>>) dst(%dma_wait3A_341 : memref<128x64xf32, #tpu.memory_space<vmem>>)
      %dma_wait3A_348 = arith.constant 2 : i32
      %dma_wait3A_349 = arith.constant 256 : i32
      %dma_wait3A_350 = arith.constant 0 : i32
      %dma_wait3A_351 = tpu.memref_slice %arg7[%dma_wait3A_349, %dma_wait3A_350] : memref<512x64xf32, #tpu.memory_space<vmem>> -> memref<128x64xf32, #tpu.memory_space<vmem>>
      %dma_wait3A_352 = arith.constant 0 : i32
      %dma_wait3A_353 = tpu.memref_slice %arg5[%dma_wait3A_348, %dma_wait3A_352] : memref<200x128xi32, #tpu.memory_space<vmem>> -> memref<1x128xi32, #tpu.memory_space<vmem>>
      %dma_wait3A_354 = tpu.memref_squeeze %dma_wait3A_353 : memref<1x128xi32, #tpu.memory_space<vmem>> -> memref<128xi32, #tpu.memory_space<vmem>>
      %dma_wait3A_355 = arith.constant 0 : i32
      %dma_wait3A_356 = arith.constant 0 : i32
      %dma_wait3A_357 = tpu.memref_slice %arg2[%dma_wait3A_355, %dma_wait3A_356] : memref<2000000x64xf32, #tpu.memory_space<hbm>> -> memref<2000000x64xf32, #tpu.memory_space<hbm>>
      tpu.wait_indirect_dma semaphore(%arg9 : memref<!tpu.dma_semaphore, #tpu.memory_space<semaphore_mem>>) src(%dma_wait3A_357 : memref<2000000x64xf32, #tpu.memory_space<hbm>>) dst(%dma_wait3A_351 : memref<128x64xf32, #tpu.memory_space<vmem>>)
      %dma_wait3A_358 = arith.constant 3 : i32
      %dma_wait3A_359 = arith.constant 384 : i32
      %dma_wait3A_360 = arith.constant 0 : i32
      %dma_wait3A_361 = tpu.memref_slice %arg7[%dma_wait3A_359, %dma_wait3A_360] : memref<512x64xf32, #tpu.memory_space<vmem>> -> memref<128x64xf32, #tpu.memory_space<vmem>>
      %dma_wait3A_362 = arith.constant 0 : i32
      %dma_wait3A_363 = tpu.memref_slice %arg5[%dma_wait3A_358, %dma_wait3A_362] : memref<200x128xi32, #tpu.memory_space<vmem>> -> memref<1x128xi32, #tpu.memory_space<vmem>>
      %dma_wait3A_364 = tpu.memref_squeeze %dma_wait3A_363 : memref<1x128xi32, #tpu.memory_space<vmem>> -> memref<128xi32, #tpu.memory_space<vmem>>
      %dma_wait3A_365 = arith.constant 0 : i32
      %dma_wait3A_366 = arith.constant 0 : i32
      %dma_wait3A_367 = tpu.memref_slice %arg2[%dma_wait3A_365, %dma_wait3A_366] : memref<2000000x64xf32, #tpu.memory_space<hbm>> -> memref<2000000x64xf32, #tpu.memory_space<hbm>>
      tpu.wait_indirect_dma semaphore(%arg9 : memref<!tpu.dma_semaphore, #tpu.memory_space<semaphore_mem>>) src(%dma_wait3A_367 : memref<2000000x64xf32, #tpu.memory_space<hbm>>) dst(%dma_wait3A_361 : memref<128x64xf32, #tpu.memory_space<vmem>>)
      %mul3A_368 = arith.constant 512 : i32
      %mul3A_369 = arith.muli %add3A_327, %mul3A_368 : i32
      %add3A_370 = arith.addi %mul3A_4, %mul3A_369 : i32
      "tpu.region"() ({
        %run_scoped3A = tpu.sem_alloc : memref<!tpu.dma_semaphore, #tpu.memory_space<semaphore_mem>>
        %dma_start3A_371 = arith.constant 0 : i32
        %dma_start3A_372 = tpu.memref_slice %arg4[%add3A_370, %dma_start3A_371] : memref<819200x64xf32, #tpu.memory_space<hbm>> -> memref<512x64xf32, #tpu.memory_space<hbm>>
        %dma_start3A_373 = arith.constant 0 : i32
        %dma_start3A_374 = tpu.memref_slice %arg4[%add3A_370, %dma_start3A_373] : memref<819200x64xf32, #tpu.memory_space<hbm>> -> memref<512x64xf32, #tpu.memory_space<hbm>>
        tpu.enqueue_dma source(%arg7 : memref<512x64xf32, #tpu.memory_space<vmem>>) target(%dma_start3A_374 : memref<512x64xf32, #tpu.memory_space<hbm>>) target_semaphore(%run_scoped3A : memref<!tpu.dma_semaphore, #tpu.memory_space<semaphore_mem>>)
        %dma_wait3A_375 = arith.constant 0 : i32
        %dma_wait3A_376 = tpu.memref_slice %arg4[%add3A_370, %dma_wait3A_375] : memref<819200x64xf32, #tpu.memory_space<hbm>> -> memref<512x64xf32, #tpu.memory_space<hbm>>
        %dma_wait3A_377 = arith.constant 0 : i32
        %dma_wait3A_378 = tpu.memref_slice %arg4[%add3A_370, %dma_wait3A_377] : memref<819200x64xf32, #tpu.memory_space<hbm>> -> memref<512x64xf32, #tpu.memory_space<hbm>>
        tpu.wait_dma2 semaphore(%run_scoped3A : memref<!tpu.dma_semaphore, #tpu.memory_space<semaphore_mem>>) src(%arg7 : memref<512x64xf32, #tpu.memory_space<vmem>>) dst(%dma_wait3A_378 : memref<512x64xf32, #tpu.memory_space<hbm>>)
        tpu.yield
      }) : () -> ()
    }
    %scan3A_48 = arith.constant 24 : i32
    %dma_start3A_49 = arith.constant 196 : i32
    %dma_start3A_50 = arith.constant 0 : i32
    %dma_start3A_51 = arith.constant 0 : i32
    %dma_start3A_52 = tpu.memref_slice %arg7[%dma_start3A_50, %dma_start3A_51] : memref<512x64xf32, #tpu.memory_space<vmem>> -> memref<128x64xf32, #tpu.memory_space<vmem>>
    %dma_start3A_53 = arith.constant 0 : i32
    %dma_start3A_54 = tpu.memref_slice %arg5[%dma_start3A_49, %dma_start3A_53] : memref<200x128xi32, #tpu.memory_space<vmem>> -> memref<1x128xi32, #tpu.memory_space<vmem>>
    %dma_start3A_55 = tpu.memref_squeeze %dma_start3A_54 : memref<1x128xi32, #tpu.memory_space<vmem>> -> memref<128xi32, #tpu.memory_space<vmem>>
    %dma_start3A_56 = arith.constant 0 : i32
    %dma_start3A_57 = arith.constant 0 : i32
    %dma_start3A_58 = tpu.memref_slice %arg2[%dma_start3A_56, %dma_start3A_57] : memref<2000000x64xf32, #tpu.memory_space<hbm>> -> memref<2000000x64xf32, #tpu.memory_space<hbm>>
    tpu.enqueue_indirect_dma source(%dma_start3A_58 : memref<2000000x64xf32, #tpu.memory_space<hbm>>) target(%dma_start3A_52 : memref<128x64xf32, #tpu.memory_space<vmem>>) offsets(%dma_start3A_55 : memref<128xi32, #tpu.memory_space<vmem>>) semaphore(%arg9 : memref<!tpu.dma_semaphore, #tpu.memory_space<semaphore_mem>>)
    %dma_start3A_59 = arith.constant 197 : i32
    %dma_start3A_60 = arith.constant 128 : i32
    %dma_start3A_61 = arith.constant 0 : i32
    %dma_start3A_62 = tpu.memref_slice %arg7[%dma_start3A_60, %dma_start3A_61] : memref<512x64xf32, #tpu.memory_space<vmem>> -> memref<128x64xf32, #tpu.memory_space<vmem>>
    %dma_start3A_63 = arith.constant 0 : i32
    %dma_start3A_64 = tpu.memref_slice %arg5[%dma_start3A_59, %dma_start3A_63] : memref<200x128xi32, #tpu.memory_space<vmem>> -> memref<1x128xi32, #tpu.memory_space<vmem>>
    %dma_start3A_65 = tpu.memref_squeeze %dma_start3A_64 : memref<1x128xi32, #tpu.memory_space<vmem>> -> memref<128xi32, #tpu.memory_space<vmem>>
    %dma_start3A_66 = arith.constant 0 : i32
    %dma_start3A_67 = arith.constant 0 : i32
    %dma_start3A_68 = tpu.memref_slice %arg2[%dma_start3A_66, %dma_start3A_67] : memref<2000000x64xf32, #tpu.memory_space<hbm>> -> memref<2000000x64xf32, #tpu.memory_space<hbm>>
    tpu.enqueue_indirect_dma source(%dma_start3A_68 : memref<2000000x64xf32, #tpu.memory_space<hbm>>) target(%dma_start3A_62 : memref<128x64xf32, #tpu.memory_space<vmem>>) offsets(%dma_start3A_65 : memref<128xi32, #tpu.memory_space<vmem>>) semaphore(%arg9 : memref<!tpu.dma_semaphore, #tpu.memory_space<semaphore_mem>>)
    %dma_start3A_69 = arith.constant 198 : i32
    %dma_start3A_70 = arith.constant 256 : i32
    %dma_start3A_71 = arith.constant 0 : i32
    %dma_start3A_72 = tpu.memref_slice %arg7[%dma_start3A_70, %dma_start3A_71] : memref<512x64xf32, #tpu.memory_space<vmem>> -> memref<128x64xf32, #tpu.memory_space<vmem>>
    %dma_start3A_73 = arith.constant 0 : i32
    %dma_start3A_74 = tpu.memref_slice %arg5[%dma_start3A_69, %dma_start3A_73] : memref<200x128xi32, #tpu.memory_space<vmem>> -> memref<1x128xi32, #tpu.memory_space<vmem>>
    %dma_start3A_75 = tpu.memref_squeeze %dma_start3A_74 : memref<1x128xi32, #tpu.memory_space<vmem>> -> memref<128xi32, #tpu.memory_space<vmem>>
    %dma_start3A_76 = arith.constant 0 : i32
    %dma_start3A_77 = arith.constant 0 : i32
    %dma_start3A_78 = tpu.memref_slice %arg2[%dma_start3A_76, %dma_start3A_77] : memref<2000000x64xf32, #tpu.memory_space<hbm>> -> memref<2000000x64xf32, #tpu.memory_space<hbm>>
    tpu.enqueue_indirect_dma source(%dma_start3A_78 : memref<2000000x64xf32, #tpu.memory_space<hbm>>) target(%dma_start3A_72 : memref<128x64xf32, #tpu.memory_space<vmem>>) offsets(%dma_start3A_75 : memref<128xi32, #tpu.memory_space<vmem>>) semaphore(%arg9 : memref<!tpu.dma_semaphore, #tpu.memory_space<semaphore_mem>>)
    %dma_start3A_79 = arith.constant 199 : i32
    %dma_start3A_80 = arith.constant 384 : i32
    %dma_start3A_81 = arith.constant 0 : i32
    %dma_start3A_82 = tpu.memref_slice %arg7[%dma_start3A_80, %dma_start3A_81] : memref<512x64xf32, #tpu.memory_space<vmem>> -> memref<128x64xf32, #tpu.memory_space<vmem>>
    %dma_start3A_83 = arith.constant 0 : i32
    %dma_start3A_84 = tpu.memref_slice %arg5[%dma_start3A_79, %dma_start3A_83] : memref<200x128xi32, #tpu.memory_space<vmem>> -> memref<1x128xi32, #tpu.memory_space<vmem>>
    %dma_start3A_85 = tpu.memref_squeeze %dma_start3A_84 : memref<1x128xi32, #tpu.memory_space<vmem>> -> memref<128xi32, #tpu.memory_space<vmem>>
    %dma_start3A_86 = arith.constant 0 : i32
    %dma_start3A_87 = arith.constant 0 : i32
    %dma_start3A_88 = tpu.memref_slice %arg2[%dma_start3A_86, %dma_start3A_87] : memref<2000000x64xf32, #tpu.memory_space<hbm>> -> memref<2000000x64xf32, #tpu.memory_space<hbm>>
    tpu.enqueue_indirect_dma source(%dma_start3A_88 : memref<2000000x64xf32, #tpu.memory_space<hbm>>) target(%dma_start3A_82 : memref<128x64xf32, #tpu.memory_space<vmem>>) offsets(%dma_start3A_85 : memref<128xi32, #tpu.memory_space<vmem>>) semaphore(%arg9 : memref<!tpu.dma_semaphore, #tpu.memory_space<semaphore_mem>>)
    %dma_wait3A = arith.constant 0 : i32
    %dma_wait3A_89 = arith.constant 0 : i32
    %dma_wait3A_90 = arith.constant 0 : i32
    %dma_wait3A_91 = tpu.memref_slice %arg6[%dma_wait3A_89, %dma_wait3A_90] : memref<512x64xf32, #tpu.memory_space<vmem>> -> memref<128x64xf32, #tpu.memory_space<vmem>>
    %dma_wait3A_92 = arith.constant 0 : i32
    %dma_wait3A_93 = tpu.memref_slice %arg5[%dma_wait3A, %dma_wait3A_92] : memref<200x128xi32, #tpu.memory_space<vmem>> -> memref<1x128xi32, #tpu.memory_space<vmem>>
    %dma_wait3A_94 = tpu.memref_squeeze %dma_wait3A_93 : memref<1x128xi32, #tpu.memory_space<vmem>> -> memref<128xi32, #tpu.memory_space<vmem>>
    %dma_wait3A_95 = arith.constant 0 : i32
    %dma_wait3A_96 = arith.constant 0 : i32
    %dma_wait3A_97 = tpu.memref_slice %arg2[%dma_wait3A_95, %dma_wait3A_96] : memref<2000000x64xf32, #tpu.memory_space<hbm>> -> memref<2000000x64xf32, #tpu.memory_space<hbm>>
    tpu.wait_indirect_dma semaphore(%arg8 : memref<!tpu.dma_semaphore, #tpu.memory_space<semaphore_mem>>) src(%dma_wait3A_97 : memref<2000000x64xf32, #tpu.memory_space<hbm>>) dst(%dma_wait3A_91 : memref<128x64xf32, #tpu.memory_space<vmem>>)
    %dma_wait3A_98 = arith.constant 1 : i32
    %dma_wait3A_99 = arith.constant 128 : i32
    %dma_wait3A_100 = arith.constant 0 : i32
    %dma_wait3A_101 = tpu.memref_slice %arg6[%dma_wait3A_99, %dma_wait3A_100] : memref<512x64xf32, #tpu.memory_space<vmem>> -> memref<128x64xf32, #tpu.memory_space<vmem>>
    %dma_wait3A_102 = arith.constant 0 : i32
    %dma_wait3A_103 = tpu.memref_slice %arg5[%dma_wait3A_98, %dma_wait3A_102] : memref<200x128xi32, #tpu.memory_space<vmem>> -> memref<1x128xi32, #tpu.memory_space<vmem>>
    %dma_wait3A_104 = tpu.memref_squeeze %dma_wait3A_103 : memref<1x128xi32, #tpu.memory_space<vmem>> -> memref<128xi32, #tpu.memory_space<vmem>>
    %dma_wait3A_105 = arith.constant 0 : i32
    %dma_wait3A_106 = arith.constant 0 : i32
    %dma_wait3A_107 = tpu.memref_slice %arg2[%dma_wait3A_105, %dma_wait3A_106] : memref<2000000x64xf32, #tpu.memory_space<hbm>> -> memref<2000000x64xf32, #tpu.memory_space<hbm>>
    tpu.wait_indirect_dma semaphore(%arg8 : memref<!tpu.dma_semaphore, #tpu.memory_space<semaphore_mem>>) src(%dma_wait3A_107 : memref<2000000x64xf32, #tpu.memory_space<hbm>>) dst(%dma_wait3A_101 : memref<128x64xf32, #tpu.memory_space<vmem>>)
    %dma_wait3A_108 = arith.constant 2 : i32
    %dma_wait3A_109 = arith.constant 256 : i32
    %dma_wait3A_110 = arith.constant 0 : i32
    %dma_wait3A_111 = tpu.memref_slice %arg6[%dma_wait3A_109, %dma_wait3A_110] : memref<512x64xf32, #tpu.memory_space<vmem>> -> memref<128x64xf32, #tpu.memory_space<vmem>>
    %dma_wait3A_112 = arith.constant 0 : i32
    %dma_wait3A_113 = tpu.memref_slice %arg5[%dma_wait3A_108, %dma_wait3A_112] : memref<200x128xi32, #tpu.memory_space<vmem>> -> memref<1x128xi32, #tpu.memory_space<vmem>>
    %dma_wait3A_114 = tpu.memref_squeeze %dma_wait3A_113 : memref<1x128xi32, #tpu.memory_space<vmem>> -> memref<128xi32, #tpu.memory_space<vmem>>
    %dma_wait3A_115 = arith.constant 0 : i32
    %dma_wait3A_116 = arith.constant 0 : i32
    %dma_wait3A_117 = tpu.memref_slice %arg2[%dma_wait3A_115, %dma_wait3A_116] : memref<2000000x64xf32, #tpu.memory_space<hbm>> -> memref<2000000x64xf32, #tpu.memory_space<hbm>>
    tpu.wait_indirect_dma semaphore(%arg8 : memref<!tpu.dma_semaphore, #tpu.memory_space<semaphore_mem>>) src(%dma_wait3A_117 : memref<2000000x64xf32, #tpu.memory_space<hbm>>) dst(%dma_wait3A_111 : memref<128x64xf32, #tpu.memory_space<vmem>>)
    %dma_wait3A_118 = arith.constant 3 : i32
    %dma_wait3A_119 = arith.constant 384 : i32
    %dma_wait3A_120 = arith.constant 0 : i32
    %dma_wait3A_121 = tpu.memref_slice %arg6[%dma_wait3A_119, %dma_wait3A_120] : memref<512x64xf32, #tpu.memory_space<vmem>> -> memref<128x64xf32, #tpu.memory_space<vmem>>
    %dma_wait3A_122 = arith.constant 0 : i32
    %dma_wait3A_123 = tpu.memref_slice %arg5[%dma_wait3A_118, %dma_wait3A_122] : memref<200x128xi32, #tpu.memory_space<vmem>> -> memref<1x128xi32, #tpu.memory_space<vmem>>
    %dma_wait3A_124 = tpu.memref_squeeze %dma_wait3A_123 : memref<1x128xi32, #tpu.memory_space<vmem>> -> memref<128xi32, #tpu.memory_space<vmem>>
    %dma_wait3A_125 = arith.constant 0 : i32
    %dma_wait3A_126 = arith.constant 0 : i32
    %dma_wait3A_127 = tpu.memref_slice %arg2[%dma_wait3A_125, %dma_wait3A_126] : memref<2000000x64xf32, #tpu.memory_space<hbm>> -> memref<2000000x64xf32, #tpu.memory_space<hbm>>
    tpu.wait_indirect_dma semaphore(%arg8 : memref<!tpu.dma_semaphore, #tpu.memory_space<semaphore_mem>>) src(%dma_wait3A_127 : memref<2000000x64xf32, #tpu.memory_space<hbm>>) dst(%dma_wait3A_121 : memref<128x64xf32, #tpu.memory_space<vmem>>)
    %add3A_128 = arith.constant 24576 : i32
    %add3A_129 = arith.addi %mul3A_4, %add3A_128 : i32
    "tpu.region"() ({
      %run_scoped3A = tpu.sem_alloc : memref<!tpu.dma_semaphore, #tpu.memory_space<semaphore_mem>>
      %dma_start3A_172 = arith.constant 0 : i32
      %dma_start3A_173 = tpu.memref_slice %arg4[%add3A_129, %dma_start3A_172] : memref<819200x64xf32, #tpu.memory_space<hbm>> -> memref<512x64xf32, #tpu.memory_space<hbm>>
      %dma_start3A_174 = arith.constant 0 : i32
      %dma_start3A_175 = tpu.memref_slice %arg4[%add3A_129, %dma_start3A_174] : memref<819200x64xf32, #tpu.memory_space<hbm>> -> memref<512x64xf32, #tpu.memory_space<hbm>>
      tpu.enqueue_dma source(%arg6 : memref<512x64xf32, #tpu.memory_space<vmem>>) target(%dma_start3A_175 : memref<512x64xf32, #tpu.memory_space<hbm>>) target_semaphore(%run_scoped3A : memref<!tpu.dma_semaphore, #tpu.memory_space<semaphore_mem>>)
      %dma_wait3A_176 = arith.constant 0 : i32
      %dma_wait3A_177 = tpu.memref_slice %arg4[%add3A_129, %dma_wait3A_176] : memref<819200x64xf32, #tpu.memory_space<hbm>> -> memref<512x64xf32, #tpu.memory_space<hbm>>
      %dma_wait3A_178 = arith.constant 0 : i32
      %dma_wait3A_179 = tpu.memref_slice %arg4[%add3A_129, %dma_wait3A_178] : memref<819200x64xf32, #tpu.memory_space<hbm>> -> memref<512x64xf32, #tpu.memory_space<hbm>>
      tpu.wait_dma2 semaphore(%run_scoped3A : memref<!tpu.dma_semaphore, #tpu.memory_space<semaphore_mem>>) src(%arg6 : memref<512x64xf32, #tpu.memory_space<vmem>>) dst(%dma_wait3A_179 : memref<512x64xf32, #tpu.memory_space<hbm>>)
      tpu.yield
    }) : () -> ()
    %dma_wait3A_130 = arith.constant 0 : i32
    %dma_wait3A_131 = arith.constant 0 : i32
    %dma_wait3A_132 = arith.constant 0 : i32
    %dma_wait3A_133 = tpu.memref_slice %arg7[%dma_wait3A_131, %dma_wait3A_132] : memref<512x64xf32, #tpu.memory_space<vmem>> -> memref<128x64xf32, #tpu.memory_space<vmem>>
    %dma_wait3A_134 = arith.constant 0 : i32
    %dma_wait3A_135 = tpu.memref_slice %arg5[%dma_wait3A_130, %dma_wait3A_134] : memref<200x128xi32, #tpu.memory_space<vmem>> -> memref<1x128xi32, #tpu.memory_space<vmem>>
    %dma_wait3A_136 = tpu.memref_squeeze %dma_wait3A_135 : memref<1x128xi32, #tpu.memory_space<vmem>> -> memref<128xi32, #tpu.memory_space<vmem>>
    %dma_wait3A_137 = arith.constant 0 : i32
    %dma_wait3A_138 = arith.constant 0 : i32
    %dma_wait3A_139 = tpu.memref_slice %arg2[%dma_wait3A_137, %dma_wait3A_138] : memref<2000000x64xf32, #tpu.memory_space<hbm>> -> memref<2000000x64xf32, #tpu.memory_space<hbm>>
    tpu.wait_indirect_dma semaphore(%arg9 : memref<!tpu.dma_semaphore, #tpu.memory_space<semaphore_mem>>) src(%dma_wait3A_139 : memref<2000000x64xf32, #tpu.memory_space<hbm>>) dst(%dma_wait3A_133 : memref<128x64xf32, #tpu.memory_space<vmem>>)
    %dma_wait3A_140 = arith.constant 1 : i32
    %dma_wait3A_141 = arith.constant 128 : i32
    %dma_wait3A_142 = arith.constant 0 : i32
    %dma_wait3A_143 = tpu.memref_slice %arg7[%dma_wait3A_141, %dma_wait3A_142] : memref<512x64xf32, #tpu.memory_space<vmem>> -> memref<128x64xf32, #tpu.memory_space<vmem>>
    %dma_wait3A_144 = arith.constant 0 : i32
    %dma_wait3A_145 = tpu.memref_slice %arg5[%dma_wait3A_140, %dma_wait3A_144] : memref<200x128xi32, #tpu.memory_space<vmem>> -> memref<1x128xi32, #tpu.memory_space<vmem>>
    %dma_wait3A_146 = tpu.memref_squeeze %dma_wait3A_145 : memref<1x128xi32, #tpu.memory_space<vmem>> -> memref<128xi32, #tpu.memory_space<vmem>>
    %dma_wait3A_147 = arith.constant 0 : i32
    %dma_wait3A_148 = arith.constant 0 : i32
    %dma_wait3A_149 = tpu.memref_slice %arg2[%dma_wait3A_147, %dma_wait3A_148] : memref<2000000x64xf32, #tpu.memory_space<hbm>> -> memref<2000000x64xf32, #tpu.memory_space<hbm>>
    tpu.wait_indirect_dma semaphore(%arg9 : memref<!tpu.dma_semaphore, #tpu.memory_space<semaphore_mem>>) src(%dma_wait3A_149 : memref<2000000x64xf32, #tpu.memory_space<hbm>>) dst(%dma_wait3A_143 : memref<128x64xf32, #tpu.memory_space<vmem>>)
    %dma_wait3A_150 = arith.constant 2 : i32
    %dma_wait3A_151 = arith.constant 256 : i32
    %dma_wait3A_152 = arith.constant 0 : i32
    %dma_wait3A_153 = tpu.memref_slice %arg7[%dma_wait3A_151, %dma_wait3A_152] : memref<512x64xf32, #tpu.memory_space<vmem>> -> memref<128x64xf32, #tpu.memory_space<vmem>>
    %dma_wait3A_154 = arith.constant 0 : i32
    %dma_wait3A_155 = tpu.memref_slice %arg5[%dma_wait3A_150, %dma_wait3A_154] : memref<200x128xi32, #tpu.memory_space<vmem>> -> memref<1x128xi32, #tpu.memory_space<vmem>>
    %dma_wait3A_156 = tpu.memref_squeeze %dma_wait3A_155 : memref<1x128xi32, #tpu.memory_space<vmem>> -> memref<128xi32, #tpu.memory_space<vmem>>
    %dma_wait3A_157 = arith.constant 0 : i32
    %dma_wait3A_158 = arith.constant 0 : i32
    %dma_wait3A_159 = tpu.memref_slice %arg2[%dma_wait3A_157, %dma_wait3A_158] : memref<2000000x64xf32, #tpu.memory_space<hbm>> -> memref<2000000x64xf32, #tpu.memory_space<hbm>>
    tpu.wait_indirect_dma semaphore(%arg9 : memref<!tpu.dma_semaphore, #tpu.memory_space<semaphore_mem>>) src(%dma_wait3A_159 : memref<2000000x64xf32, #tpu.memory_space<hbm>>) dst(%dma_wait3A_153 : memref<128x64xf32, #tpu.memory_space<vmem>>)
    %dma_wait3A_160 = arith.constant 3 : i32
    %dma_wait3A_161 = arith.constant 384 : i32
    %dma_wait3A_162 = arith.constant 0 : i32
    %dma_wait3A_163 = tpu.memref_slice %arg7[%dma_wait3A_161, %dma_wait3A_162] : memref<512x64xf32, #tpu.memory_space<vmem>> -> memref<128x64xf32, #tpu.memory_space<vmem>>
    %dma_wait3A_164 = arith.constant 0 : i32
    %dma_wait3A_165 = tpu.memref_slice %arg5[%dma_wait3A_160, %dma_wait3A_164] : memref<200x128xi32, #tpu.memory_space<vmem>> -> memref<1x128xi32, #tpu.memory_space<vmem>>
    %dma_wait3A_166 = tpu.memref_squeeze %dma_wait3A_165 : memref<1x128xi32, #tpu.memory_space<vmem>> -> memref<128xi32, #tpu.memory_space<vmem>>
    %dma_wait3A_167 = arith.constant 0 : i32
    %dma_wait3A_168 = arith.constant 0 : i32
    %dma_wait3A_169 = tpu.memref_slice %arg2[%dma_wait3A_167, %dma_wait3A_168] : memref<2000000x64xf32, #tpu.memory_space<hbm>> -> memref<2000000x64xf32, #tpu.memory_space<hbm>>
    tpu.wait_indirect_dma semaphore(%arg9 : memref<!tpu.dma_semaphore, #tpu.memory_space<semaphore_mem>>) src(%dma_wait3A_169 : memref<2000000x64xf32, #tpu.memory_space<hbm>>) dst(%dma_wait3A_163 : memref<128x64xf32, #tpu.memory_space<vmem>>)
    %add3A_170 = arith.constant 25088 : i32
    %add3A_171 = arith.addi %mul3A_4, %add3A_170 : i32
    "tpu.region"() ({
      %run_scoped3A = tpu.sem_alloc : memref<!tpu.dma_semaphore, #tpu.memory_space<semaphore_mem>>
      %dma_start3A_172 = arith.constant 0 : i32
      %dma_start3A_173 = tpu.memref_slice %arg4[%add3A_171, %dma_start3A_172] : memref<819200x64xf32, #tpu.memory_space<hbm>> -> memref<512x64xf32, #tpu.memory_space<hbm>>
      %dma_start3A_174 = arith.constant 0 : i32
      %dma_start3A_175 = tpu.memref_slice %arg4[%add3A_171, %dma_start3A_174] : memref<819200x64xf32, #tpu.memory_space<hbm>> -> memref<512x64xf32, #tpu.memory_space<hbm>>
      tpu.enqueue_dma source(%arg7 : memref<512x64xf32, #tpu.memory_space<vmem>>) target(%dma_start3A_175 : memref<512x64xf32, #tpu.memory_space<hbm>>) target_semaphore(%run_scoped3A : memref<!tpu.dma_semaphore, #tpu.memory_space<semaphore_mem>>)
      %dma_wait3A_176 = arith.constant 0 : i32
      %dma_wait3A_177 = tpu.memref_slice %arg4[%add3A_171, %dma_wait3A_176] : memref<819200x64xf32, #tpu.memory_space<hbm>> -> memref<512x64xf32, #tpu.memory_space<hbm>>
      %dma_wait3A_178 = arith.constant 0 : i32
      %dma_wait3A_179 = tpu.memref_slice %arg4[%add3A_171, %dma_wait3A_178] : memref<819200x64xf32, #tpu.memory_space<hbm>> -> memref<512x64xf32, #tpu.memory_space<hbm>>
      tpu.wait_dma2 semaphore(%run_scoped3A : memref<!tpu.dma_semaphore, #tpu.memory_space<semaphore_mem>>) src(%arg7 : memref<512x64xf32, #tpu.memory_space<vmem>>) dst(%dma_wait3A_179 : memref<512x64xf32, #tpu.memory_space<hbm>>)
      tpu.yield
    }) : () -> ()
    return
  }
}

module attributes {stable_mosaic.version = 14 : i64} {
  func.func @body(%arg0: i32, %arg1: memref<64x16384xf32, #tpu.memory_space<vmem>>, %arg2: memref<16384x128xf32, #tpu.memory_space<vmem>>) attributes {dimension_semantics = [#tpu.dimension_semantics<arbitrary>], iteration_bounds = array<i64: 62>, scalar_prefetch = 0 : i64, scratch_operands = 0 : i64, tpu.core_type = #tpu.core_type<tc>, window_params = [{transform_indices = @transform_0, window_bounds = array<i64: 64, 16384>}, {transform_indices = @transform_1, window_bounds = array<i64: 16384, 128>}]} {
    %get3A = arith.constant 0 : index
    %get3A_0 = arith.constant 0 : index
    %get3A_1 = vector.load %arg1[%get3A, %get3A_0] : memref<64x16384xf32, #tpu.memory_space<vmem>>, vector<64x16384xf32>
    %transpose3A = tpu.transpose %get3A_1, [1, 0] : vector<64x16384xf32> -> vector<16384x64xf32>
    %swap3A = arith.constant 0 : index
    %swap3A_2 = arith.constant 0 : index
    %swap3A_3 = vector.load %arg2[%swap3A, %swap3A_2] : memref<16384x128xf32, #tpu.memory_space<vmem>>, vector<16384x64xf32>
    tpu.vector_store %arg2[%swap3A, %swap3A_2], %transpose3A {strides = array<i32>} : memref<16384x128xf32, #tpu.memory_space<vmem>>, vector<16384x64xf32>,
    return
  }
  func.func @transform_0(%arg0: i32) -> (i32, i32) {
    %c0_i32 = arith.constant 0 : i32
    %c0_i32_0 = arith.constant 0 : i32
    return %c0_i32, %arg0 : i32, i32
  }
  func.func @transform_1(%arg0: i32) -> (i32, i32) {
    %c0_i32 = arith.constant 0 : i32
    %c0_i32_0 = arith.constant 0 : i32
    return %arg0, %c0_i32 : i32, i32
  }
}

</mosaic_0001>

<sc_bundles>
// kernel: kernel.4.cloned.1.call-start
scs
__scs_entry_jumppad:
0x0: {  	(pc) =	sbr.rel $0x88, $3  }
0x1: {  	(tag) =	ssettag $0x0;
	lr =	simm.s32 $0x1  }
0x2: {  	[smem:$0x3F9F] =	sst lr;
	_ =	strace $0xD0000000  }
0x3: {  	_ = 	snop  }
0x4: {  	_ = 	snop  }
0x5: {  	_ = 	snop  }
0x6: {  	_ = 	snop  }
0x7: {  	_ = 	snop  }
__scs_overlays_trampoline_lowered:
0x8: {  	[smem:$0x3FAE] =	sst s0  }
0x9: {  	[smem:$0x3FAF] =	sst s1  }
0xa: {  	[smem:$0x3FB0] =	sst s2  }
0xb: {  	[smem:$0x3FB1] =	sst s3  }
0xc: {  	[smem:$0x3FB2] =	sst s4  }
0xd: {  	[smem:$0x3FB3] =	sst s5  }
0xe: {  	[smem:$0x3FB4] =	sst s6  }
0xf: {  	[smem:$0x3FB5] =	sst s7  }
0x10: {  	[smem:$0x3FB6] =	sst s8  }
0x11: {  	[smem:$0x3FB7] =	sst s9;
	s0 =	simm.s32 @!p0 $0x0  }
0x12: {  	s1 =	sld [smem:$0x3F9D];
	s0 =	simm.s32 @p0 $0x1  }
0x13: {  	[smem:$0x3FB8] =	sst s0;
	s0 =	simm.s32 @!p1 $0x0  }
0x14: {  	s2 =	sld [smem:$0x3F9C];
	s0 =	simm.s32 @p1 $0x1  }
0x15: {  	[smem:$0x3FB9] =	sst s0;
	s0 =	simm.s32 @!p2 $0x0  }
0x16: {  	s3 =	sld [smem:$0x3FDB];
	s0 =	simm.s32 @p2 $0x1  }
0x17: {  	s4 =	simm.s32 $0x1BF5;
	[smem:$0x3FBB] =	sst s0  }
0x18: {  	s0 =	sld [smem:$0x3F9E];
	_ =	swait.ge [sflag:s4], $0x0  }
0x19: {  	s7 =	sld [smem:$0x3F9F]  }
0x1a: {  	s8 =	sadd.s32 $0xFFFFE003, lr  }
0x1b: {  	s9 =	sadd.s32 $0xFFFFFEF7, lr;
	s5 =	simm.s32 $0xFFFFFFFF;
	p2 =	slt.u32 s8, $0xFFFFF086  }
0x1c: {  	p1 =	slt.u32 s9, $0xF7A;
	s5 =	simm.s32 @!p2 $0x0  }
0x1d: {  	s5 =	simm.s32 @p1 $0x1;
	p0 =	seq.s32 s7, s2  }
0x1e: {  	s7 =	smul.u32 @!p0 $0xF7A, s2;
	p2 =	seq.s32 @!p0 s5, $0x0  }
0x1f: {  	s9 =	smul.u32 $0xF7A, s1;
	s8 =	simm.s32 @!p0 $0x1BF5;
	p2 =	por !p2, p0  }
0x20: {  	[sflag:s8] =	ssyncset.s32 @!p0 $0xFFFFF086;
	s6 =	sadd.s32 @!p0 s3, s7;
	s7 =	simm.s32 @!p0 $0x108  }
0x21: {  	s3 =	sadd.s32 s3, s9;
	s6 =	sadd.s32 @!p0 $0x88, s6;
	s7 =	simm.s32 @p2 $0x1082  }
0x22: {  	[simem:s7], [sflag:s8] =	dma.local @!p0 [hbm:s6], $0xF7A  }
0x23: {  	s9 =	sor.u32 $0xD0000000, s2;
	s6 =	simm.s32 $0x108;
	_ =	swait.ge @!p0 [sflag:s8], $0x0  }
0x24: {  	s3 =	sadd.s32 $0x88, s3;
	s6 =	simm.s32 @!p1 $0x1082;
	[sflag:s4] =	ssyncset.s32 $0xFFFFF086  }
0x25: {  	[simem:s6], [sflag:s4] =	dma.local [hbm:s3], $0xF7A  }
0x26: {  	[smem:$0x3F9F] =	sst s1;
	(tag) =	ssettag s2;
	_ =	strace s9  }
0x27: {  	s1 =	sld [smem:$0x3FAF]  }
0x28: {  	s2 =	sld [smem:$0x3FB0]  }
0x29: {  	s4 =	sld [smem:$0x3FB2]  }
0x2a: {  	p0 =	seq.s32 s5, $0x0;
	s5 =	sld [smem:$0x3FB3]  }
0x2b: {  	s6 =	sld [smem:$0x3FB4]  }
0x2c: {  	s7 =	sld [smem:$0x3FB5]  }
0x2d: {  	s3 =	simm.s32 $0x108;
	s8 =	sld [smem:$0x3FB6]  }
0x2e: {  	s3 =	simm.s32 @!p0 $0x1082;
	s9 =	sld [smem:$0x3FB7]  }
0x2f: {  	lr =	sadd.s32 s0, s3;
	s0 =	sld [smem:$0x3FAE]  }
0x30: {  	s3 =	sld [smem:$0x3FB1]  }
0x31: {  	[smem:$0x3FBA] =	sst s10  }
0x32: {  	s10 =	sld [smem:$0x3FB8];
	_ =	sdelay $0x3  }
0x33: {  	p0 =	seq.s32 s10, $0x1;
	s10 =	sld [smem:$0x3FBA];
	_ =	sdelay $0x3  }
0x34: {  	[smem:$0x3FBA] =	sst s10  }
0x35: {  	s10 =	sld [smem:$0x3FB9];
	_ =	sdelay $0x3  }
0x36: {  	p1 =	seq.s32 s10, $0x1;
	s10 =	sld [smem:$0x3FBA];
	_ =	sdelay $0x3  }
0x37: {  	[smem:$0x3FBA] =	sst s10  }
0x38: {  	s10 =	sld [smem:$0x3FBB]  }
0x39: {  	_ = 	snop;
	(pc) =	sbr.ind lr, $3  }
0x3a: {  	_ = 	snop  }
0x3b: {  	_ = 	snop  }
0x3c: {  	p2 =	seq.s32 s10, $0x1;
	s10 =	sld [smem:$0x3FBA]  }
0x3d: {  	_ =	shalt  }
0x3e: {  	_ =	shalt  }
0x3f: {  	_ =	shalt  }
0x40: {  	_ =	shalt  }
0x41: {  	_ =	shalt  }
0x42: {  	_ =	shalt  }
0x43: {  	_ =	shalt  }
0x44: {  	_ =	shalt  }
0x45: {  	_ =	shalt  }
0x46: {  	_ =	shalt  }
0x47: {  	_ =	shalt  }
0x48: {  	_ =	shalt  }
0x49: {  	_ =	shalt  }
0x4a: {  	_ =	shalt  }
0x4b: {  	_ =	shalt  }
0x4c: {  	_ =	shalt  }
0x4d: {  	_ =	shalt  }
0x4e: {  	_ =	shalt  }
0x4f: {  	_ =	shalt  }
0x50: {  	_ =	shalt  }
0x51: {  	_ =	shalt  }
0x52: {  	_ =	shalt  }
0x53: {  	_ =	shalt  }
0x54: {  	_ =	shalt  }
0x55: {  	_ =	shalt  }
0x56: {  	_ =	shalt  }
0x57: {  	_ =	shalt  }
0x58: {  	_ =	shalt  }
0x59: {  	_ =	shalt  }
0x5a: {  	_ =	shalt  }
0x5b: {  	_ =	shalt  }
0x5c: {  	_ =	shalt  }
0x5d: {  	_ =	shalt  }
0x5e: {  	_ =	shalt  }
0x5f: {  	_ =	shalt  }
0x60: {  	_ =	shalt  }
0x61: {  	_ =	shalt  }
0x62: {  	_ =	shalt  }
0x63: {  	_ =	shalt  }
0x64: {  	_ =	shalt  }
0x65: {  	_ =	shalt  }
0x66: {  	_ =	shalt  }
0x67: {  	_ =	shalt  }
0x68: {  	_ =	shalt  }
0x69: {  	_ =	shalt  }
0x6a: {  	_ =	shalt  }
0x6b: {  	_ =	shalt  }
0x6c: {  	_ =	shalt  }
0x6d: {  	_ =	shalt  }
0x6e: {  	_ =	shalt  }
0x6f: {  	_ =	shalt  }
0x70: {  	_ =	shalt  }
0x71: {  	_ =	shalt  }
0x72: {  	_ =	shalt  }
0x73: {  	_ =	shalt  }
0x74: {  	_ =	shalt  }
0x75: {  	_ =	shalt  }
0x76: {  	_ =	shalt  }
0x77: {  	_ =	shalt  }
0x78: {  	_ =	shalt  }
0x79: {  	_ =	shalt  }
0x7a: {  	_ =	shalt  }
0x7b: {  	_ =	shalt  }
0x7c: {  	_ =	shalt  }
0x7d: {  	_ =	shalt  }
0x7e: {  	_ =	shalt  }
0x7f: {  	_ =	shalt  }
0x80: {  	_ =	shalt  }
0x81: {  	_ =	shalt  }
0x82: {  	_ =	shalt  }
0x83: {  	_ =	shalt  }
0x84: {  	_ =	shalt  }
0x85: {  	_ =	shalt  }
0x86: {  	_ =	shalt  }
0x87: {  	_ =	shalt  }
.Lfunc_end0:
.L_simem_size_0:
called_computation.1_lowered:
.L_overlay_start_0:
0x88: {  	s2 =	sld [smem:$0x3FD9]  }
0x89: {  	s3 =	sld [smem:$0x3FFE];
	_ =	sdelay $0x1  }
0x8a: {  	s1 =	srdreg.scid  }
0x8b: {  	s0 =	sand.u32 $0x1, s1  }
0x8c: {  	s17 =	sshll.u32 s0, $0xA;
	s2 =	sadd.s32 s3, s2  }
0x8d: {  	s2 =	sadd.s32 s2, s17  }
0x8e: {  	[smem:$0x3FC6] =	sst s2  }
0x8f: {  	_ = 	snop  }
0x90: {  	s2 =	sld [smem:$0x3FD0];
	(tm) =	ssettm $0x1  }
0x91: {  	s18 =	sld [smem:$0x3FFB];
	_ =	sdelay $0x3  }
0x92: {  	_ =	strace s18  }
0x93: {  	s3 =	sld [smem:$0x3FFC];
	_ =	sdelay $0x3  }
0x94: {  	_ =	strace s3  }
0x95: {  	s3 =	sld [smem:$0x3FFD];
	_ =	sdelay $0x3  }
0x96: {  	_ =	strace s3  }
0x97: {  	_ =	strace $0x8FFFFFFF  }
0x98: {  	s19 =	sld [smem:$0x3FDB];
	_ =	sdelay $0x1  }
0x99: {  	s4 =	simm.s32 $_scs_section_size  }
0x9a: {  	s5 =	simm.s32 $_size__tile_overlayer_lowered;
	s6 =	simm.s32 $_tile_overlayer_lowered  }
0x9b: {  	s22 =	simm.s32 $0x1BFF;
	s21 =	sshll.u32 s6, $0x1;
	s3 =	sadd.s32 s4, s19  }
0x9c: {  	s7 =	simm.s32 $0x0;
	s20 =	sshll.u32 s5, $0x1;
	s5 =	sadd.s32 s21, s3  }
0x9d: {  	[timem:s7], [sflag:s22] =	dma.local [hbm:s5], s20  }
0x9e: {  	_ =	swait.ge [sflag:s22], s20  }
0x9f: {  	s4 =	ssub.s32 $0x0, s20;
	[sflag:s22] =	ssyncset.done $0x0  }
0xa0: {  	[sflag:s22] =	ssyncadd.s32 s4;
	_ =	sdelay $0x1  }
0xa1: {  	s23 =	simm.s32 $0x1B8B  }
0xa2: {  	_ =	swait.ge [sflag:s23], $0x1  }
0xa3: {  	[sflag:s23] =	ssyncset.done $0x0  }
0xa4: {  	s25 =	simm.s32 $0x1B8E;
	s24 =	sld [smem:$0x3FFE];
	[sflag:s23] =	ssyncadd.s32 $0xFFFFFFFF  }
0xa5: {  	s26 =	simm.s32 $execute0_lowered;
	[smem:$0x3FD2] =	sst s25  }
0xa6: {  	s5 =	sshll.u32 s26, $0x1;
	_ =	strace $0x80000046;
	[dreg:$0x1] =	wrdreg $0xFFFFFFFF  }
0xa7: {  	s28 =	simm.s32 $_size_execute0_lowered;
	s3 =	sadd.s32 s3, s5;
	[dreg:$0x0] =	wrdreg $0x0  }
0xa8: {  	s5 =	sshll.u32 s28, $0x1;
	[dreg:$0x2] =	wrdreg s3  }
0xa9: {  	[dreg:$0x3] =	wrdreg s5  }
0xaa: {  	[dreg:$0x4] =	wrdreg $0xC0  }
0xab: {  	_ =	task [dreg:s7], $0x5FFFF  }
0xac: {  	[dreg:$0x1] =	wrdreg $0xFFFFFFFF  }
0xad: {  	[dreg:$0x0] =	wrdreg $0x60  }
0xae: {  	[dreg:$0x2] =	wrdreg s24  }
0xaf: {  	[dreg:$0x3] =	wrdreg s2  }
0xb0: {  	[dreg:$0x4] =	wrdreg $0x9  }
0xb1: {  	_ =	task.clear_ibuf [dreg:s7], $0x5FFFF;
	_ =	strace $0x90000046  }
0xb2: {  	s29 =	simm.s32 $0x9;
	_ =	strace $0x80000048  }
0xb3: {  	_ =	swait.ge [sflag:s29], $0x1  }
0xb4: {  	[sflag:s29] =	ssyncadd.s32 $0xFFFFFFFF  }
0xb5: {  	_ =	strace $0x90000048  }
0xb6: {  	_ =	sfence  }
0xb7: {  	s30 =	sld [smem:$0x0];
	_ =	sdelay $0x2  }
0xb8: {  	s31 =	sshll.u32 s1, $0xD;
	s1 =	sshrl.u32 s1, $0x2  }
0xb9: {  	s3 =	sand.u32 $0x4000, s31;
	s1 =	sadd.s32 s1, s30  }
0xba: {  	s0 =	sor.u32 s3, s0;
	s1 =	sshll.u32 s1, $0x11  }
0xbb: {  	s0 =	sor.u32 s1, s0  }
0xbc: {  	s0 =	sadd.s32 $0x8F2B, s0  }
0xbd: {  	[sflag:s0] =	ssyncadd.remote.s32 $0x1  }
0xbe: {  	_ =	sfence.sel $0xFFFF  }
0xbf: {  	[dreg:$0x0] =	wrdreg $0xFFFFFFFF;
	(pc) =	sbr.abs _section_cstart, $3  }
0xc0: {  	[dreg:$0x1] =	wrdreg $0xFFFFFFFF  }
0xc1: {  	_ =	task.clear_ibuf [dreg:s7], $0x2FFFF;
	_ =	strace $0x9FFFFFFF  }
0xc2: {  	(tm) =	ssettm $0x7FFFFFFF  }
0xc3: {  	_ =	shalt  }
tec
execute0_lowered:
.L_overlay_start_1:
0x0: {  	(tag) =	ssettag $0x1  }
0x1: {  	s0 =	srdreg.scid;
	s1 =	rddreg [dreg:$0x0]  }
0x2: {  	s7 =	stileid.u32;
	s9 =	rddreg [dreg:$0x1];
	s10 =	simm.s32 $0x3  }
0x3: {  	s11 =	simm.s32 $0x80;
	s12 =	simm.s32 $0x6400;
	s13 =	simm.s32 $0x8400  }
0x4: {  	s15 =	simm.s32 $0xA400;
	s17 =	simm.s32 $0xC400;
	s18 =	simm.s32 $0xE400  }
0x5: {  	s19 =	simm.s32 $0x10400;
	s20 =	simm.s32 $0x12400;
	s21 =	simm.s32 $0x14400  }
0x6: {  	s22 =	simm.s32 $0x1;
	s23 =	simm.s32 $0x2;
	s25 =	simm.s32 $0x6280  }
0x7: {  	s26 =	simm.s32 $0x6300;
	s0 =	sand.u32 $0x1, s0;
	s2 =	sshll.u32 s7, $0x1  }
0x8: {  	s28 =	simm.s32 $0x6380;
	s7 =	smul.u32 $0x320000, s7;
	s3 =	sor.u32 s0, s2  }
0x9: {  	s2 =	simm.s32 $0x0;
	s6 =	ssub.s32 $0x2, s0;
	s0 =	smul.u32 $0x190000, s0  }
0xa: {  	s29 =	simm.s32 $0x0;
	s4 =	smul.u32 $0xC80, s3;
	[smem:$0x7FF] =	sst s2  }
0xb: {  	s5 =	smul.u32 $0x190000, s3;
	s3 =	sadd.s32 $0x19800, s1;
	s8 =	sshrl.u32 s6, $0x1  }
0xc: {  	_ =	strace $0x80000047;
	s8 =	ssub.s32 s6, s8;
	s0 =	sadd.s32 s0, s7  }
0xd: {  	s1 =	sadd.s32 s4, s1;
	s5 =	sshrl.u32 s5, $0x3;
	s31 =	sor.u32 $0x8000, s0  }
0xe: {  	s7 =	smax.u32 s8, $0x1;
	s0 =	sshrl.u32 s0, $0x3;
	s4 =	sadd.s32 $0x800, s1  }
0xf: {  	s30 =	sadd.s32 s9, s5;
	s1 =	sshrl.u32 s31, $0x3;
	s8 =	sadd.s32 s0, s9  }
0x10: {  	s5 =	sadd.s32 $0x30000, s30;
	s6 =	sadd.s32 $0x31000, s30;
	s9 =	sadd.s32 s1, s9  }
.LBB2_1:
0x11: {  	[tilespmem:s2], [sflag:$0x3] =	stream.linear.gather [hbm4b:s4+s2], $0x6400, $0x38;
	[tilespmem:$0x16400] =	vst v63  }
0x12: {  	_ =	swait.ge [sflag:s10], $0x6400  }
0x13: {  	[sflag:s10] =	ssyncset.done $0x0  }
0x14: {  	[sflag:s10] =	ssyncadd.s32 $0xFFFF9C00  }
0x15: {  	[tilespmem:s12], [sflag:$0x1] =	stream.indirect.gather [hbm4b:s3+s11], $0x40, s2, s11, $0xb8;
	[tilespmem:$0x16400] =	vst v63  }
0x16: {  	_ = 	snop  }
0x17: {  	[tilespmem:s13], [sflag:$0x1] =	stream.indirect.gather [hbm4b:s3+s11], $0x40, s11, s11, $0xb8;
	[tilespmem:$0x16400] =	vst v63  }
0x18: {  	s0 =	simm.s32 $0x100  }
0x19: {  	[tilespmem:s15], [sflag:$0x1] =	stream.indirect.gather [hbm4b:s3+s11], $0x40, s0, s11, $0xb8;
	[tilespmem:$0x16400] =	vst v63  }
0x1a: {  	s24 =	simm.s32 $0x180  }
0x1b: {  	[tilespmem:s17], [sflag:$0x1] =	stream.indirect.gather [hbm4b:s3+s11], $0x40, s24, s11, $0xb8;
	[tilespmem:$0x16400] =	vst v63  }
0x1c: {  	s1 =	simm.s32 $0x200  }
0x1d: {  	[tilespmem:s18], [sflag:$0x2] =	stream.indirect.gather [hbm4b:s3+s11], $0x40, s1, s11, $0xb8;
	[tilespmem:$0x16400] =	vst v63  }
0x1e: {  	s14 =	simm.s32 $0x280  }
0x1f: {  	[tilespmem:s19], [sflag:$0x2] =	stream.indirect.gather [hbm4b:s3+s11], $0x40, s14, s11, $0xb8;
	[tilespmem:$0x16400] =	vst v63  }
0x20: {  	s16 =	simm.s32 $0x300  }
0x21: {  	[tilespmem:s20], [sflag:$0x2] =	stream.indirect.gather [hbm4b:s3+s11], $0x40, s16, s11, $0xb8;
	[tilespmem:$0x16400] =	vst v63  }
0x22: {  	s24 =	simm.s32 $0x380  }
0x23: {  	[tilespmem:s21], [sflag:$0x2] =	stream.indirect.gather [hbm4b:s3+s11], $0x40, s24, s11, $0xb8;
	[tilespmem:$0x16400] =	vst v63  }
0x24: {  	_ =	swait.ge [sflag:s22], $0x2000  }
0x25: {  	[sflag:s22] =	ssyncset.done $0x0  }
0x26: {  	[sflag:s22] =	ssyncadd.s32 $0xFFFFE000  }
0x27: {  	_ =	swait.ge [sflag:s22], $0x2000  }
0x28: {  	[sflag:s22] =	ssyncset.done $0x0  }
0x29: {  	[sflag:s22] =	ssyncadd.s32 $0xFFFFE000  }
0x2a: {  	_ =	swait.ge [sflag:s22], $0x2000  }
0x2b: {  	[sflag:s22] =	ssyncset.done $0x0  }
0x2c: {  	[sflag:s22] =	ssyncadd.s32 $0xFFFFE000  }
0x2d: {  	_ =	swait.ge [sflag:s22], $0x2000  }
0x2e: {  	[sflag:s22] =	ssyncset.done $0x0  }
0x2f: {  	[sflag:s22] =	ssyncadd.s32 $0xFFFFE000  }
0x30: {  	[hbm4b:s8+s2] =	stream.linear.scatter [tilespmem:s12], [sflag:$0x3], $0x8000, $0x38;
	[tilespmem:$0x16400] =	vst v63  }
0x31: {  	_ =	swait.ge [sflag:s10], $0x8000  }
0x32: {  	[sflag:s10] =	ssyncset.done $0x0  }
0x33: {  	s1 =	simm.s32 $0x400;
	[sflag:s10] =	ssyncadd.s32 $0xFFFF8000  }
0x34: {  	[tilespmem:s12], [sflag:$0x1] =	stream.indirect.gather [hbm4b:s3+s11], $0x40, s1, s11, $0xb8;
	[tilespmem:$0x16400] =	vst v63  }
0x35: {  	s14 =	simm.s32 $0x480  }
0x36: {  	[tilespmem:s13], [sflag:$0x1] =	stream.indirect.gather [hbm4b:s3+s11], $0x40, s14, s11, $0xb8;
	[tilespmem:$0x16400] =	vst v63  }
0x37: {  	s16 =	simm.s32 $0x500  }
0x38: {  	[tilespmem:s15], [sflag:$0x1] =	stream.indirect.gather [hbm4b:s3+s11], $0x40, s16, s11, $0xb8;
	[tilespmem:$0x16400] =	vst v63  }
0x39: {  	s24 =	simm.s32 $0x580  }
0x3a: {  	[tilespmem:s17], [sflag:$0x1] =	stream.indirect.gather [hbm4b:s3+s11], $0x40, s24, s11, $0xb8;
	[tilespmem:$0x16400] =	vst v63  }
0x3b: {  	_ =	swait.ge [sflag:s23], $0x2000  }
0x3c: {  	[sflag:s23] =	ssyncset.done $0x0  }
0x3d: {  	[sflag:s23] =	ssyncadd.s32 $0xFFFFE000  }
0x3e: {  	_ =	swait.ge [sflag:s23], $0x2000  }
0x3f: {  	[sflag:s23] =	ssyncset.done $0x0  }
0x40: {  	[sflag:s23] =	ssyncadd.s32 $0xFFFFE000  }
0x41: {  	_ =	swait.ge [sflag:s23], $0x2000  }
0x42: {  	[sflag:s23] =	ssyncset.done $0x0  }
0x43: {  	[sflag:s23] =	ssyncadd.s32 $0xFFFFE000  }
0x44: {  	_ =	swait.ge [sflag:s23], $0x2000  }
0x45: {  	[sflag:s23] =	ssyncset.done $0x0  }
0x46: {  	[sflag:s23] =	ssyncadd.s32 $0xFFFFE000  }
0x47: {  	[hbm4b:s9+s2] =	stream.linear.scatter [tilespmem:s18], [sflag:$0x3], $0x8000, $0x38;
	[tilespmem:$0x16400] =	vst v63  }
0x48: {  	s30 =	sadd.s32 $0x2000, s9;
	s31 =	sadd.s32 $0x2000, s8;
	_ =	swait.ge [sflag:s10], $0x8000  }
0x49: {  	s0 =	simm.s32 $0x2000;
	s1 =	simm.s32 $0x400;
	[sflag:s10] =	ssyncset.done $0x0  }
.LBB2_2:
0x4a: {  	s24 =	sadd.s32 $0x200, s1  }
0x4b: {  	[sflag:s10] =	ssyncadd.s32 $0xFFFF8000;
	s14 =	smov.u32 s0;
	s16 =	sadd.s32 $0x1000, s0  }
0x4c: {  	[tilespmem:s18], [sflag:$0x2] =	stream.indirect.gather [hbm4b:s3+s11], $0x40, s24, s11, $0xb8;
	[tilespmem:$0x16400] =	vst v63  }
0x4d: {  	p0 =	sne.s32 s0, $0x17000;
	s0 =	sadd.s32 $0x280, s1  }
0x4e: {  	[tilespmem:s19], [sflag:$0x2] =	stream.indirect.gather [hbm4b:s3+s11], $0x40, s0, s11, $0xb8;
	[tilespmem:$0x16400] =	vst v63  }
0x4f: {  	s0 =	sadd.s32 $0x300, s1  }
0x50: {  	[tilespmem:s20], [sflag:$0x2] =	stream.indirect.gather [hbm4b:s3+s11], $0x40, s0, s11, $0xb8;
	[tilespmem:$0x16400] =	vst v63  }
0x51: {  	s0 =	sadd.s32 $0x380, s1  }
0x52: {  	[tilespmem:s21], [sflag:$0x2] =	stream.indirect.gather [hbm4b:s3+s11], $0x40, s0, s11, $0xb8;
	[tilespmem:$0x16400] =	vst v63  }
0x53: {  	_ =	swait.ge [sflag:s22], $0x2000  }
0x54: {  	[sflag:s22] =	ssyncset.done $0x0  }
0x55: {  	[sflag:s22] =	ssyncadd.s32 $0xFFFFE000  }
0x56: {  	_ =	swait.ge [sflag:s22], $0x2000  }
0x57: {  	[sflag:s22] =	ssyncset.done $0x0  }
0x58: {  	[sflag:s22] =	ssyncadd.s32 $0xFFFFE000  }
0x59: {  	_ =	swait.ge [sflag:s22], $0x2000  }
0x5a: {  	[sflag:s22] =	ssyncset.done $0x0  }
0x5b: {  	[sflag:s22] =	ssyncadd.s32 $0xFFFFE000  }
0x5c: {  	_ =	swait.ge [sflag:s22], $0x2000  }
0x5d: {  	[sflag:s22] =	ssyncset.done $0x0  }
0x5e: {  	[sflag:s22] =	ssyncadd.s32 $0xFFFFE000  }
0x5f: {  	[hbm4b:s31+s2] =	stream.linear.scatter [tilespmem:s12], [sflag:$0x3], $0x8000, $0x38;
	[tilespmem:$0x16400] =	vst v63  }
0x60: {  	_ =	swait.ge [sflag:s10], $0x8000  }
0x61: {  	[sflag:s10] =	ssyncset.done $0x0  }
0x62: {  	s0 =	sadd.s32 $0x400, s1;
	[sflag:s10] =	ssyncadd.s32 $0xFFFF8000  }
0x63: {  	[tilespmem:s12], [sflag:$0x1] =	stream.indirect.gather [hbm4b:s3+s11], $0x40, s0, s11, $0xb8;
	[tilespmem:$0x16400] =	vst v63  }
0x64: {  	s0 =	sadd.s32 $0x480, s1  }
0x65: {  	[tilespmem:s13], [sflag:$0x1] =	stream.indirect.gather [hbm4b:s3+s11], $0x40, s0, s11, $0xb8;
	[tilespmem:$0x16400] =	vst v63  }
0x66: {  	s0 =	sadd.s32 $0x500, s1  }
0x67: {  	[tilespmem:s15], [sflag:$0x1] =	stream.indirect.gather [hbm4b:s3+s11], $0x40, s0, s11, $0xb8;
	[tilespmem:$0x16400] =	vst v63  }
0x68: {  	s0 =	sadd.s32 $0x580, s1  }
0x69: {  	[tilespmem:s17], [sflag:$0x1] =	stream.indirect.gather [hbm4b:s3+s11], $0x40, s0, s11, $0xb8;
	[tilespmem:$0x16400] =	vst v63  }
0x6a: {  	_ =	swait.ge [sflag:s23], $0x2000  }
0x6b: {  	[sflag:s23] =	ssyncset.done $0x0  }
0x6c: {  	[sflag:s23] =	ssyncadd.s32 $0xFFFFE000  }
0x6d: {  	_ =	swait.ge [sflag:s23], $0x2000  }
0x6e: {  	[sflag:s23] =	ssyncset.done $0x0  }
0x6f: {  	[sflag:s23] =	ssyncadd.s32 $0xFFFFE000  }
0x70: {  	_ =	swait.ge [sflag:s23], $0x2000  }
0x71: {  	[sflag:s23] =	ssyncset.done $0x0  }
0x72: {  	[sflag:s23] =	ssyncadd.s32 $0xFFFFE000  }
0x73: {  	_ =	swait.ge [sflag:s23], $0x2000  }
.Ltmp0:
0x74: {  	[sflag:s23] =	ssyncset.done $0x0;
	(pc) =	sbr.rel @p0 .LBB2_2-.Ltmp0, $4  }
0x75: {  	[sflag:s23] =	ssyncadd.s32 $0xFFFFE000  }
0x76: {  	[hbm4b:s30+s2] =	stream.linear.scatter [tilespmem:s18], [sflag:$0x3], $0x8000, $0x38;
	[tilespmem:$0x16400] =	vst v63  }
0x77: {  	s31 =	sadd.s32 $0x2000, s31;
	s30 =	sadd.s32 $0x2000, s30;
	_ =	swait.ge [sflag:s10], $0x8000  }
0x78: {  	s1 =	sshra.s32 s14, $0x2;
	s0 =	smov.u32 s16;
	[sflag:s10] =	ssyncset.done $0x0  }
0x79: {  	s0 =	sadd.s32 $0x200, s1;
	[sflag:s10] =	ssyncadd.s32 $0xFFFF8000  }
0x7a: {  	[tilespmem:s18], [sflag:$0x2] =	stream.indirect.gather [hbm4b:s3+s11], $0x40, s0, s11, $0xb8;
	[tilespmem:$0x16400] =	vst v63  }
0x7b: {  	s14 =	sadd.s32 $0x280, s1  }
0x7c: {  	[tilespmem:s19], [sflag:$0x2] =	stream.indirect.gather [hbm4b:s3+s11], $0x40, s14, s11, $0xb8;
	[tilespmem:$0x16400] =	vst v63  }
0x7d: {  	s16 =	sadd.s32 $0x300, s1  }
0x7e: {  	[tilespmem:s20], [sflag:$0x2] =	stream.indirect.gather [hbm4b:s3+s11], $0x40, s16, s11, $0xb8;
	[tilespmem:$0x16400] =	vst v63  }
0x7f: {  	s24 =	sadd.s32 $0x380, s1  }
0x80: {  	[tilespmem:s21], [sflag:$0x2] =	stream.indirect.gather [hbm4b:s3+s11], $0x40, s24, s11, $0xb8;
	[tilespmem:$0x16400] =	vst v63  }
0x81: {  	_ =	swait.ge [sflag:s22], $0x2000  }
0x82: {  	[sflag:s22] =	ssyncset.done $0x0  }
0x83: {  	[sflag:s22] =	ssyncadd.s32 $0xFFFFE000  }
0x84: {  	_ =	swait.ge [sflag:s22], $0x2000  }
0x85: {  	[sflag:s22] =	ssyncset.done $0x0  }
0x86: {  	[sflag:s22] =	ssyncadd.s32 $0xFFFFE000  }
0x87: {  	_ =	swait.ge [sflag:s22], $0x2000  }
0x88: {  	[sflag:s22] =	ssyncset.done $0x0  }
0x89: {  	[sflag:s22] =	ssyncadd.s32 $0xFFFFE000  }
0x8a: {  	_ =	swait.ge [sflag:s22], $0x2000  }
0x8b: {  	[sflag:s22] =	ssyncset.done $0x0  }
0x8c: {  	[sflag:s22] =	ssyncadd.s32 $0xFFFFE000  }
0x8d: {  	[hbm4b:s31+s2] =	stream.linear.scatter [tilespmem:s12], [sflag:$0x3], $0x8000, $0x38;
	[tilespmem:$0x16400] =	vst v63  }
0x8e: {  	_ =	swait.ge [sflag:s10], $0x8000  }
0x8f: {  	[sflag:s10] =	ssyncset.done $0x0  }
0x90: {  	s31 =	sadd.s32 $0x400, s1;
	[sflag:s10] =	ssyncadd.s32 $0xFFFF8000  }
0x91: {  	[tilespmem:s12], [sflag:$0x1] =	stream.indirect.gather [hbm4b:s3+s11], $0x40, s31, s11, $0xb8;
	[tilespmem:$0x16400] =	vst v63  }
0x92: {  	s14 =	sadd.s32 $0x480, s1  }
0x93: {  	[tilespmem:s13], [sflag:$0x1] =	stream.indirect.gather [hbm4b:s3+s11], $0x40, s14, s11, $0xb8;
	[tilespmem:$0x16400] =	vst v63  }
0x94: {  	s16 =	sadd.s32 $0x500, s1  }
0x95: {  	[tilespmem:s15], [sflag:$0x1] =	stream.indirect.gather [hbm4b:s3+s11], $0x40, s16, s11, $0xb8;
	[tilespmem:$0x16400] =	vst v63  }
0x96: {  	s24 =	sadd.s32 $0x580, s1  }
0x97: {  	[tilespmem:s17], [sflag:$0x1] =	stream.indirect.gather [hbm4b:s3+s11], $0x40, s24, s11, $0xb8;
	[tilespmem:$0x16400] =	vst v63  }
0x98: {  	_ =	swait.ge [sflag:s23], $0x2000  }
0x99: {  	[sflag:s23] =	ssyncset.done $0x0  }
0x9a: {  	[sflag:s23] =	ssyncadd.s32 $0xFFFFE000  }
0x9b: {  	_ =	swait.ge [sflag:s23], $0x2000  }
0x9c: {  	[sflag:s23] =	ssyncset.done $0x0  }
0x9d: {  	[sflag:s23] =	ssyncadd.s32 $0xFFFFE000  }
0x9e: {  	_ =	swait.ge [sflag:s23], $0x2000  }
0x9f: {  	[sflag:s23] =	ssyncset.done $0x0  }
0xa0: {  	[sflag:s23] =	ssyncadd.s32 $0xFFFFE000  }
0xa1: {  	_ =	swait.ge [sflag:s23], $0x2000  }
0xa2: {  	[sflag:s23] =	ssyncset.done $0x0  }
0xa3: {  	[sflag:s23] =	ssyncadd.s32 $0xFFFFE000  }
0xa4: {  	[hbm4b:s30+s2] =	stream.linear.scatter [tilespmem:s18], [sflag:$0x3], $0x8000, $0x38;
	[tilespmem:$0x16400] =	vst v63  }
0xa5: {  	_ =	swait.ge [sflag:s10], $0x8000  }
0xa6: {  	[sflag:s10] =	ssyncset.done $0x0  }
0xa7: {  	s31 =	simm.s32 $0x6200;
	[sflag:s10] =	ssyncadd.s32 $0xFFFF8000  }
0xa8: {  	[tilespmem:s18], [sflag:$0x2] =	stream.indirect.gather [hbm4b:s3+s11], $0x40, s31, s11, $0xb8;
	[tilespmem:$0x16400] =	vst v63  }
0xa9: {  	_ = 	snop  }
0xaa: {  	[tilespmem:s19], [sflag:$0x2] =	stream.indirect.gather [hbm4b:s3+s11], $0x40, s25, s11, $0xb8;
	[tilespmem:$0x16400] =	vst v63  }
0xab: {  	_ = 	snop  }
0xac: {  	[tilespmem:s20], [sflag:$0x2] =	stream.indirect.gather [hbm4b:s3+s11], $0x40, s26, s11, $0xb8;
	[tilespmem:$0x16400] =	vst v63  }
0xad: {  	_ = 	snop  }
0xae: {  	[tilespmem:s21], [sflag:$0x2] =	stream.indirect.gather [hbm4b:s3+s11], $0x40, s28, s11, $0xb8;
	[tilespmem:$0x16400] =	vst v63  }
0xaf: {  	_ =	swait.ge [sflag:s22], $0x2000  }
0xb0: {  	[sflag:s22] =	ssyncset.done $0x0  }
0xb1: {  	[sflag:s22] =	ssyncadd.s32 $0xFFFFE000  }
0xb2: {  	_ =	swait.ge [sflag:s22], $0x2000  }
0xb3: {  	[sflag:s22] =	ssyncset.done $0x0  }
0xb4: {  	[sflag:s22] =	ssyncadd.s32 $0xFFFFE000  }
0xb5: {  	_ =	swait.ge [sflag:s22], $0x2000  }
0xb6: {  	[sflag:s22] =	ssyncset.done $0x0  }
0xb7: {  	[sflag:s22] =	ssyncadd.s32 $0xFFFFE000  }
0xb8: {  	_ =	swait.ge [sflag:s22], $0x2000  }
0xb9: {  	[sflag:s22] =	ssyncset.done $0x0  }
0xba: {  	[sflag:s22] =	ssyncadd.s32 $0xFFFFE000  }
0xbb: {  	[hbm4b:s5+s2] =	stream.linear.scatter [tilespmem:s12], [sflag:$0x3], $0x8000, $0x38;
	[tilespmem:$0x16400] =	vst v63  }
0xbc: {  	_ =	swait.ge [sflag:s10], $0x8000  }
0xbd: {  	[sflag:s10] =	ssyncset.done $0x0  }
0xbe: {  	[sflag:s10] =	ssyncadd.s32 $0xFFFF8000  }
0xbf: {  	_ =	swait.ge [sflag:s23], $0x2000  }
0xc0: {  	[sflag:s23] =	ssyncset.done $0x0  }
0xc1: {  	[sflag:s23] =	ssyncadd.s32 $0xFFFFE000  }
0xc2: {  	_ =	swait.ge [sflag:s23], $0x2000  }
0xc3: {  	[sflag:s23] =	ssyncset.done $0x0  }
0xc4: {  	[sflag:s23] =	ssyncadd.s32 $0xFFFFE000  }
0xc5: {  	_ =	swait.ge [sflag:s23], $0x2000  }
0xc6: {  	[sflag:s23] =	ssyncset.done $0x0  }
0xc7: {  	[sflag:s23] =	ssyncadd.s32 $0xFFFFE000  }
0xc8: {  	s29 =	sadd.s32 $0x1, s29;
	_ =	swait.ge [sflag:s23], $0x2000  }
0xc9: {  	p0 =	sne.s32 s29, s7;
	[sflag:s23] =	ssyncset.done $0x0  }
.Ltmp1:
0xca: {  	[sflag:s23] =	ssyncadd.s32 $0xFFFFE000;
	(pc) =	sbr.rel @p0 .LBB2_1-.Ltmp1, $4  }
0xcb: {  	[hbm4b:s6+s2] =	stream.linear.scatter [tilespmem:s18], [sflag:$0x3], $0x8000, $0x38;
	[tilespmem:$0x16400] =	vst v63  }
0xcc: {  	_ =	swait.ge [sflag:s10], $0x8000  }
0xcd: {  	[sflag:s10] =	ssyncset.done $0x0  }
0xce: {  	[sflag:s10] =	ssyncadd.s32 $0xFFFF8000  }
0xcf: {  	_ =	sfence.sel $0x180000  }
0xd0: {  	[bflag:$0x0] =	sbarrier.arrive $0xFFFF  }
0xd1: {  	_ =	strace $0x90000047  }
0xd2: {  	s0 =	stileid.u32;
	[bflag:$0x2] =	sbarrier.arrive $0xFFFF  }
0xd3: {  	p0 =	sne.s32 s0, $0x0;
	s0 =	rddreg [dreg:$0x2]  }
0xd4: {  	s0 =	sadd.s32 @!p0 $0x100000, s0  }
0xd5: {  	[sflag:s0] =	ssyncadd.tile.s32 @!p0 $0x1;
	_ =	shalt  }
.Lfunc_end2:
_tile_overlayer_lowered:
.L_overlay_start_2:
0xd6: {  	(tag) =	ssettag $0x2  }
0xd7: {  	s0 =	rddreg [dreg:$0x0];
	s2 =	stileid.u32  }
0xd8: {  	s1 =	rddreg [dreg:$0x1];
	p0 =	sne.s32 s2, $0x0  }
0xd9: {  	s3 =	rddreg [dreg:$0x2];
	[bflag:$0x3] =	sbarrier.arrive $0xFFFF;
	s2 =	simm.s32 @!p0 $0x1C03  }
0xda: {  	[timem:s3], [sflag:s2] =	dma.local @!p0 [hbm:s0], s1  }
0xdb: {  	s0 =	simm.s32 @!p0 $0x3  }
0xdc: {  	_ =	swait.ge @!p0 [sflag:s0], s1  }
0xdd: {  	s1 =	ssub.s32 @!p0 $0x0, s1;
	[sflag:s0] =	ssyncset.done @!p0 $0x0  }
0xde: {  	[sflag:s0] =	ssyncadd.s32 @!p0 s1  }
0xdf: {  	[bflag:$0x3] =	sbarrier.arrive $0xFFFF  }
0xe0: {  	_ =	shalt  }

// kernel: sparse-core-data-format-call.cloned.1.call-start
scs
called_computation_lowered:
.L_overlay_start_0:
0x0: {  	s2 =	sld [smem:$0x3FD9]  }
0x1: {  	s3 =	sld [smem:$0x3FFE];
	_ =	sdelay $0x1  }
0x2: {  	s1 =	srdreg.scid  }
0x3: {  	s0 =	sand.u32 $0x1, s1  }
0x4: {  	s18 =	sshll.u32 s0, $0xA;
	s2 =	sadd.s32 s3, s2  }
0x5: {  	s2 =	sadd.s32 s2, s18  }
0x6: {  	[smem:$0x3FC6] =	sst s2  }
0x7: {  	_ = 	snop  }
0x8: {  	s2 =	sld [smem:$0x3FD0];
	(tm) =	ssettm $0x1  }
0x9: {  	s19 =	sld [smem:$0x3FFB];
	_ =	sdelay $0x3  }
0xa: {  	_ =	strace s19  }
0xb: {  	s3 =	sld [smem:$0x3FFC];
	_ =	sdelay $0x3  }
0xc: {  	_ =	strace s3  }
0xd: {  	s3 =	sld [smem:$0x3FFD];
	_ =	sdelay $0x3  }
0xe: {  	_ =	strace s3  }
0xf: {  	_ =	strace $0x8FFFFFFF  }
0x10: {  	s20 =	sld [smem:$0x3FDB];
	_ =	sdelay $0x1  }
0x11: {  	s4 =	simm.s32 $_scs_section_size  }
0x12: {  	s5 =	simm.s32 $_size__tile_overlayer_lowered;
	s6 =	simm.s32 $_tile_overlayer_lowered  }
0x13: {  	s23 =	simm.s32 $0x1BFF;
	s22 =	sshll.u32 s6, $0x1;
	s3 =	sadd.s32 s4, s20  }
0x14: {  	s7 =	simm.s32 $0x0;
	s21 =	sshll.u32 s5, $0x1;
	s5 =	sadd.s32 s22, s3  }
0x15: {  	[timem:s7], [sflag:s23] =	dma.local [hbm:s5], s21  }
0x16: {  	_ =	swait.ge [sflag:s23], s21  }
0x17: {  	s4 =	ssub.s32 $0x0, s21;
	[sflag:s23] =	ssyncset.done $0x0  }
0x18: {  	[sflag:s23] =	ssyncadd.s32 s4;
	_ =	sdelay $0x1  }
0x19: {  	s24 =	simm.s32 $0x1B8B  }
0x1a: {  	_ =	swait.ge [sflag:s24], $0x1  }
0x1b: {  	[sflag:s24] =	ssyncset.done $0x0  }
0x1c: {  	s26 =	simm.s32 $0x1B8E;
	s25 =	sld [smem:$0x3FFE];
	[sflag:s24] =	ssyncadd.s32 $0xFFFFFFFF  }
0x1d: {  	s27 =	simm.s32 $execute0_lowered;
	[smem:$0x3FD2] =	sst s26  }
0x1e: {  	s5 =	sshll.u32 s27, $0x1;
	_ =	strace $0x80000049;
	[dreg:$0x1] =	wrdreg $0xFFFFFFFF  }
0x1f: {  	s28 =	simm.s32 $_size_execute0_lowered;
	s3 =	sadd.s32 s3, s5;
	[dreg:$0x0] =	wrdreg $0x0  }
0x20: {  	s5 =	sshll.u32 s28, $0x1;
	[dreg:$0x2] =	wrdreg s3  }
0x21: {  	[dreg:$0x3] =	wrdreg s5  }
0x22: {  	[dreg:$0x4] =	wrdreg $0xC0  }
0x23: {  	_ =	task [dreg:s7], $0x5FFFF  }
0x24: {  	[dreg:$0x1] =	wrdreg $0xFFFFFFFF  }
0x25: {  	[dreg:$0x0] =	wrdreg $0x60  }
0x26: {  	[dreg:$0x2] =	wrdreg s25  }
0x27: {  	[dreg:$0x3] =	wrdreg s2  }
0x28: {  	[dreg:$0x4] =	wrdreg $0x9  }
0x29: {  	_ =	task.clear_ibuf [dreg:s7], $0x5FFFF;
	_ =	strace $0x90000049  }
0x2a: {  	s29 =	simm.s32 $0x9;
	_ =	strace $0x8000004B  }
0x2b: {  	_ =	swait.ge [sflag:s29], $0x1  }
0x2c: {  	[sflag:s29] =	ssyncadd.s32 $0xFFFFFFFF  }
0x2d: {  	_ =	strace $0x9000004B  }
0x2e: {  	_ =	sfence  }
0x2f: {  	s30 =	sld [smem:$0x0];
	_ =	sdelay $0x2  }
0x30: {  	s31 =	sshll.u32 s1, $0xD;
	s1 =	sshrl.u32 s1, $0x2  }
0x31: {  	s3 =	sand.u32 $0x4000, s31;
	s1 =	sadd.s32 s1, s30  }
0x32: {  	s0 =	sor.u32 s3, s0;
	s1 =	sshll.u32 s1, $0x11  }
0x33: {  	s0 =	sor.u32 s1, s0  }
0x34: {  	s0 =	sadd.s32 $0x8F2B, s0  }
0x35: {  	[sflag:s0] =	ssyncadd.remote.s32 $0x1  }
0x36: {  	_ =	sfence.sel $0xFFFF  }
0x37: {  	[dreg:$0x0] =	wrdreg $0xFFFFFFFF;
	(pc) =	sbr.abs _section_cstart, $3  }
0x38: {  	[dreg:$0x1] =	wrdreg $0xFFFFFFFF  }
0x39: {  	_ =	task.clear_ibuf [dreg:s7], $0x2FFFF;
	_ =	strace $0x9FFFFFFF  }
0x3a: {  	(tm) =	ssettm $0x7FFFFFFF  }
0x3b: {  	_ =	shalt  }
tec
execute0_lowered:
.L_overlay_start_1:
0x0: {  	(tag) =	ssettag $0x1  }
0x1: {  	s0 =	srdreg.scid  }
0x2: {  	s1 =	sshll.u32 s0, $0x4  }
0x3: {  	s0 =	stileid.u32;
	s1 =	sand.u32 $0x10, s1  }
0x4: {  	s1 =	sor.u32 s0, s1  }
0x5: {  	s6 =	rddreg [dreg:$0x0];
	s4 =	simm.s32 $0x1;
	s2 =	sshll.u32 s1, $0x7  }
0x6: {  	s7 =	simm.s32 $0x2;
	s13 =	simm.s32 $0x0;
	s1 =	ssub.s32 $0x4000, s2  }
0x7: {  	s8 =	simm.s32 $0x20000;
	s12 =	simm.s32 $0x0;
	s3 =	sand.u32 $0xF80, s1  }
0x8: {  	s9 =	simm.s32 $0x0;
	s5 =	sshrl.u32 s1, $0xC;
	p0 =	sne.s32 s3, $0x0  }
.Ltmp0:
0x9: {  	s1 =	rddreg [dreg:$0x2];
	s4 =	simm.s32 @!p0 $0x0;
	(pc) =	sbr.rel .LBB1_1-.Ltmp0, $4  }
0xa: {  	s11 =	simm.s32 $0x0;
	s3 =	rddreg [dreg:$0x1];
	s5 =	sadd.s32 s4, s5  }
0xb: {  	_ =	strace $0x8000004A;
	s4 =	simm.s32 $0x1;
	s5 =	smul.u32 $0x19, s5  }
0xc: {  	s6 =	sadd.s32 $0x800, s6;
	s10 =	smov.u32 s2;
	[sflag:s4] =	ssyncpa.u1 $0x0  }
0xd: {  	p0 =	por $0x0, $0x0;
	[sflag:s7] =	ssyncpa.u1 $0x0;
	s7 =	sadd.s32 $0x1, s5  }
.LBB1_4:
0xe: {  	v5 =	vld [tilespmem:s16+$0xFFFFFFD0];
	[tilespmem:s17+$0x2040 ss:$0x81] =	vst.msk $0xffff, v3  }
0xf: {  	v58 =	vld [tilespmem:s16+$0xFFFFFFE0];
	[tilespmem:s17+$0x2850 ss:$0x81] =	vst.msk $0xffff, v4;
	s19 =	sshll.u32 s13, $0xE;
	s20 =	sshll.u32 s12, $0x3  }
0x10: {  	s18 =	sshra.s32 s18, $0x2;
	v59 =	vld [tilespmem:s16+$0xFFFFFFF0];
	[tilespmem:s17+$0x3060 ss:$0x81] =	vst.msk $0xffff, v2;
	s19 =	sand.u32 $0xFFFE0000, s19;
	s21 =	sand.u32 $0xFFFFFC00, s20  }
0x11: {  	[tilespmem:s17+$0x0 ss:$0x81] =	vst.msk $0xffff, v0;
	v60 =	vld [tilespmem:s16+$0x0];
	s15 =	sadd.s32 s18, s15;
	s25 =	sadd.s32 s21, s19  }
0x12: {  	v61 =	vld [tilespmem:s16+$0x10];
	[tilespmem:s15+$0x3870 ss:$0x81] =	vst.msk $0xffff, v1;
	s17 =	sshrl.u32 s25, $0xE  }
0x13: {  	v62 =	vld [tilespmem:s16+$0x20];
	s26 =	smulhi.u32 $0x147AE2, s17;
	[tilespmem:s15+$0x810 ss:$0x81] =	vst.msk $0xffff, v5  }
0x14: {  	v63 =	vld [tilespmem:s16+$0xFFFFFFC0];
	s27 =	sand.u32 $0x78, s12;
	s28 =	sshll.u32 s13, $0x7;
	s29 =	sand.u32 $0x3C00, s20;
	[tilespmem:s15+$0x1020 ss:$0x81] =	vst.msk $0xffff, v58  }
0x15: {  	s13 =	sand.u32 $0x380, s28;
	s16 =	sor.u32 s27, s29;
	[tilespmem:s15+$0x1830 ss:$0x81] =	vst.msk $0xffff, v59;
	s18 =	smul.u32 $0xC80, s26  }
0x16: {  	s13 =	sor.u32 s13, s16;
	[tilespmem:s15+$0x2040 ss:$0x81] =	vst.msk $0xffff, v60  }
0x17: {  	s31 =	sand.u32 $0x7, s12;
	s13 =	sshrl.u32 s13, $0x3;
	[tilespmem:s15+$0x2850 ss:$0x81] =	vst.msk $0xffff, v61;
	s30 =	ssub.s32 s17, s18  }
0x18: {  	s12 =	sshll.u32 s31, $0x12;
	[tilespmem:s15+$0x3060 ss:$0x81] =	vst.msk $0xffff, v62;
	s13 =	sadd.s32 s3, s13;
	s16 =	sshll.u32 s30, $0xB  }
0x19: {  	s12 =	sor.u32 $0x400, s12;
	[tilespmem:s15+$0x0 ss:$0x81] =	vst.msk $0xffff, v63;
	s13 =	sadd.s32 s16, s13  }
0x1a: {  	[hbm4b:s13+s12] =	stream.strided.scatter [tilespmem:s14], [sflag:$0x2], $0x4000, s8, s12, $0x20;
	[tilespmem:$0x10100] =	vst v63  }
.LBB1_5:
0x1b: {  	s14 =	sadd.s32 $0x80, s9  }
0x1c: {  	s12 =	sadd.s32 $0x1000, s10;
	s16 =	smov.u32 s10;
	p2 =	sgt.s32 s14, $0xC7F  }
0x1d: {  	s16 =	smov.u32 @p2 s12  }
0x1e: {  	s14 =	simm.s32 @p2 $0x0;
	p2 =	sgt.s32 s16, $0x3FFF  }
0x1f: {  	s16 =	smov.u32 @p2 s2;
	p2 =	sne.s32 s11, s7  }
.Ltmp1:
0x20: {  	p1 =	slt.u32 s11, $0x2;
	(pc) =	sbr.rel @!p2 .LBB1_6-.Ltmp1, $4  }
0x21: {  	s15 =	simm.s32 @!p1 $0x2  }
0x22: {  	s13 =	smov.u32 s9;
	p0 =	por !p0, !p0;
	_ =	swait.ge @!p1 [sflag:s15], $0x4000  }
0x23: {  	s12 =	smov.u32 s10;
	[sflag:s15] =	ssyncset.done @!p1 $0x0;
	s9 =	smov.u32 s14  }
0x24: {  	s11 =	sadd.s32 $0x1, s11;
	[sflag:s15] =	ssyncadd.s32 @!p1 $0xFFFFC000;
	s10 =	smov.u32 s16  }
.LBB1_1:
0x25: {  	p1 =	sge.u32 s11, s5  }
0x26: {  	s14 =	sshrl.u32 @!p1 s10, $0x3  }
0x27: {  	s15 =	sshll.u32 @!p1 s9, $0x3;
	s14 =	smul.u32 @!p1 $0x6400, s14  }
0x28: {  	s16 =	sshll.u32 @!p1 s10, $0x7;
	s15 =	sand.u32 @!p1 $0xFFFFFC00, s15  }
0x29: {  	s14 =	sadd.s32 @!p1 s14, s15;
	s15 =	sand.u32 @!p1 $0x380, s16  }
0x2a: {  	s16 =	sand.u32 @!p1 $0x7F, s9;
	s14 =	sor.u32 @!p1 s15, s14  }
0x2b: {  	s15 =	sor.u32 @!p1 s16, s14  }
0x2c: {  	s16 =	smulhi.u32 @!p1 $0x51EB851F, s15;
	_ =	sdelay $0x1  }
0x2d: {  	s14 =	smulhi.u32 @!p1 $0x51EB851F, s14;
	s16 =	sshrl.u32 @!p1 s16, $0xA  }
0x2e: {  	s16 =	smul.u32 @!p1 $0xC80, s16  }
0x2f: {  	s31 =	sadd.s32 $0xFFFFFFFF, s11;
	s17 =	sxor.u32 @!p1 $0xFFFFFFFF, s11;
	s14 =	sshrl.u32 @!p1 s14, $0xA  }
0x30: {  	s17 =	sshll.u32 @!p1 s17, $0xE;
	s14 =	sand.u32 @!p1 $0x3FFF, s14;
	s15 =	ssub.s32 @!p1 s15, s16  }
0x31: {  	s14 =	smul.u32 @!p1 $0x190, s14;
	s16 =	sshrl.u32 @!p1 s15, $0x3;
	s15 =	sand.u32 @!p1 $0x7, s15  }
0x32: {  	s17 =	sand.u32 @!p1 $0x4000, s17;
	s16 =	sadd.s32 @!p1 s6, s16;
	s15 =	sshll.u32 @!p1 s15, $0x12  }
0x33: {  	s14 =	sadd.s32 @!p1 s14, s16;
	s15 =	sor.u32 @!p1 $0x400, s15;
	s16 =	simm.s32 @!p1 $0x6400  }
0x34: {  	[tilespmem:s17], [sflag:$0x1] =	stream.strided.gather @!p1 [hbm4b:s14+s15], $0x4000, s16, s15, $0x38;
	[tilespmem:$0x10100] =	vst v63  }
0x35: {  	p1 =	sge.u32 s31, s5  }
.Ltmp2:
0x36: {  	_ = 	snop;
	(pc) =	sbr.rel @p1 .LBB1_5-.Ltmp2, $1  }
0x37: {  	_ =	sdelay $0x3  }
0x38: {  	s14 =	simm.s32 $0x1  }
0x39: {  	_ =	swait.ge [sflag:s4], $0x4000;
	s14 =	simm.s32 @!p0 $0x0  }
0x3a: {  	[sflag:s4] =	ssyncset.done $0x0;
	s15 =	sshll.u32 s14, $0xE  }
0x3b: {  	[sflag:s4] =	ssyncadd.s32 $0xFFFFC000;
	s16 =	sor.u32 $0x40, s15  }
0x3c: {  	s14 =	smul.u32 $0x10200, s14;
	v0 =	vld [tilespmem:s16+$0x30]  }
0x3d: {  	v1 =	vld [tilespmem:s16+$0xFFFFFFD0]  }
0x3e: {  	s14 =	sshrl.u32 s14, $0x2;
	v5 =	vld [tilespmem:s16+$0xFFFFFFE0]  }
0x3f: {  	v6 =	vld [tilespmem:s16+$0xFFFFFFF0];
	s15 =	sor.u32 $0x8000, s14  }
0x40: {  	s31 =	sand.u32 $0x1, s11;
	v3 =	vld [tilespmem:s16+$0x0];
	s17 =	sadd.s32 $0x0, s15  }
0x41: {  	v4 =	vld [tilespmem:s16+$0x10];
	s14 =	smul.u32 $0x10200, s31;
	[tilespmem:s17+$0x3870 ss:$0x81] =	vst.msk $0xffff, v0  }
0x42: {  	v2 =	vld [tilespmem:s16+$0x20];
	[tilespmem:s17+$0x810 ss:$0x81] =	vst.msk $0xffff, v1  }
0x43: {  	s14 =	sshrl.u32 s14, $0x2;
	v0 =	vld [tilespmem:s16+$0xFFFFFFC0];
	[tilespmem:s17+$0x1020 ss:$0x81] =	vst.msk $0xffff, v5;
	s16 =	sadd.s32 $0x80, s16  }
0x44: {  	s18 =	simm.s32 $0x4;
	s19 =	simm.s32 $0x8;
	s14 =	sor.u32 $0x8000, s14;
	[tilespmem:s17+$0x1830 ss:$0x81] =	vst.msk $0xffff, v6;
	v1 =	vld [tilespmem:s16+$0x30]  }
.LBB1_3:
0x45: {  	p1 =	sne.s32 s19, $0x1FC;
	v5 =	vld [tilespmem:s16+$0xFFFFFFD0];
	[tilespmem:s17+$0x2040 ss:$0x81] =	vst.msk $0xffff, v3  }
0x46: {  	v6 =	vld [tilespmem:s16+$0xFFFFFFE0];
	[tilespmem:s17+$0x2850 ss:$0x81] =	vst.msk $0xffff, v4  }
0x47: {  	s20 =	sshra.s32 s18, $0x2;
	s18 =	smov.u32 s19;
	v7 =	vld [tilespmem:s16+$0xFFFFFFF0];
	[tilespmem:s17+$0x3060 ss:$0x81] =	vst.msk $0xffff, v2  }
.Ltmp3:
0x48: {  	v3 =	vld [tilespmem:s16+$0x0];
	[tilespmem:s17+$0x0 ss:$0x81] =	vst.msk $0xffff, v0;
	s17 =	sadd.s32 s20, s15;
	(pc) =	sbr.rel @p1 .LBB1_3-.Ltmp3, $4  }
0x49: {  	v4 =	vld [tilespmem:s16+$0x10];
	[tilespmem:s17+$0x3870 ss:$0x81] =	vst.msk $0xffff, v1  }
0x4a: {  	[tilespmem:s17+$0x810 ss:$0x81] =	vst.msk $0xffff, v5;
	v2 =	vld [tilespmem:s16+$0x20]  }
0x4b: {  	v0 =	vld [tilespmem:s16+$0xFFFFFFC0];
	[tilespmem:s17+$0x1020 ss:$0x81] =	vst.msk $0xffff, v6;
	s16 =	sadd.s32 $0x80, s16  }
0x4c: {  	s19 =	sadd.s32 $0x4, s19;
	v1 =	vld [tilespmem:s16+$0x30];
	[tilespmem:s17+$0x1830 ss:$0x81] =	vst.msk $0xffff, v7  }
.Ltmp4:
0x4d: {  	_ = 	snop;
	(pc) =	sbr.rel .LBB1_4-.Ltmp4, $1  }
0x4e: {  	_ =	sdelay $0x3  }
.LBB1_6:
0x4f: {  	_ =	sfence.sel $0x180000  }
0x50: {  	s2 =	simm.s32 $0x1;
	[bflag:$0x0] =	sbarrier.arrive $0xFFFF  }
0x51: {  	s31 =	simm.s32 $0x2;
	[sflag:s2] =	ssyncpa.u1 $0x1  }
0x52: {  	[sflag:s31] =	ssyncpa.u1 $0x1  }
0x53: {  	p0 =	sne.s32 s0, $0x0;
	_ =	strace $0x9000004A  }
0x54: {  	s0 =	sadd.s32 @!p0 $0x100000, s1;
	[bflag:$0x2] =	sbarrier.arrive $0xFFFF  }
0x55: {  	[sflag:s0] =	ssyncadd.tile.s32 @!p0 $0x1;
	_ =	shalt  }
.Lfunc_end1:
_tile_overlayer_lowered:
.L_overlay_start_2:
0x56: {  	(tag) =	ssettag $0x2  }
0x57: {  	s0 =	rddreg [dreg:$0x0];
	s2 =	stileid.u32  }
0x58: {  	s1 =	rddreg [dreg:$0x1];
	p0 =	sne.s32 s2, $0x0  }
0x59: {  	s3 =	rddreg [dreg:$0x2];
	[bflag:$0x3] =	sbarrier.arrive $0xFFFF;
	s2 =	simm.s32 @!p0 $0x1C01  }
0x5a: {  	[timem:s3], [sflag:s2] =	dma.local @!p0 [hbm:s0], s1  }
0x5b: {  	s0 =	simm.s32 @!p0 $0x1  }
0x5c: {  	_ =	swait.ge @!p0 [sflag:s0], s1  }
0x5d: {  	s1 =	ssub.s32 @!p0 $0x0, s1;
	[sflag:s0] =	ssyncset.done @!p0 $0x0  }
0x5e: {  	[sflag:s0] =	ssyncadd.s32 @!p0 s1  }
0x5f: {  	[bflag:$0x3] =	sbarrier.arrive $0xFFFF  }
0x60: {  	_ =	shalt  }

</sc_bundles>
